<compile_context>
chip_gen: v7x
topology: tpu7x:2x2x1
jax: 0.10.2.dev20260603
libtpu: 0.0.44.dev20260713+nightly
codegen_flags: <defaults>
</compile_context>

<pallas_src>
import functools

import jax
import jax.numpy as jnp
from jax import lax
from jax.experimental import pallas as pl
from jax.experimental.pallas import tpu as pltpu
from jax.experimental.pallas import tpu_sc as plsc

B, L = 1024, 200
D_WORD = 128
D_OUT = 240
N_TOK = B * L
CHUNK = 64
NW = 32
TOK_PER_W = N_TOK // NW
N_CHUNKS = TOK_PER_W // CHUNK
NBUF = 3
N_GROUPS = (N_CHUNKS + NBUF - 1) // NBUF


def _splat(x):
    return lax.broadcast_in_dim(x, (16,), ())


def _wordrep_sc(wt, ct, tt, p1t, p2t, idx5):
    mesh = plsc.VectorSubcoreMesh(core_axis_name="c", subcore_axis_name="s")

    @functools.partial(
        pl.kernel,
        mesh=mesh,
        out_type=jax.ShapeDtypeStruct((N_TOK, D_OUT), jnp.float32),
        compiler_params=pltpu.CompilerParams(needs_layout_passes=False),
        scratch_types=[
            [pltpu.VMEM((5, CHUNK), jnp.int32) for _ in range(NBUF)],
            [pltpu.VMEM((CHUNK, D_OUT), jnp.float32) for _ in range(NBUF)],
            pltpu.VMEM((1, 128), jnp.float32),
            pltpu.VMEM((16, 128), jnp.float32),
            pltpu.VMEM((250, 128), jnp.float32),
            pltpu.VMEM((250, 128), jnp.float32),
            [pltpu.SemaphoreType.DMA for _ in range(NBUF)],
            [pltpu.SemaphoreType.DMA for _ in range(NBUF)],
            [pltpu.SemaphoreType.DMA for _ in range(NBUF)],
        ],
    )
    def k(wt_h, ct_h, tt_h, p1t_h, p2t_h, idx5_h, out_h,
          idx_v, stage, cap_v, pt_v, p1_v, p2_v, semi, semg, sems):
        wid = lax.axis_index("s") * 2 + lax.axis_index("c")
        chunk0 = wid * N_CHUNKS
        pltpu.sync_copy(ct_h, cap_v)
        pltpu.sync_copy(tt_h, pt_v)
        pltpu.sync_copy(p1t_h, p1_v)
        pltpu.sync_copy(p2t_h, p2_v)
        iota = lax.iota(jnp.int32, 16)

        def issue_gather(b):
            return pltpu.async_copy(
                wt_h.at[idx_v[b].at[0]],
                stage[b].at[:, pl.ds(0, D_WORD)], semg[b])

        def wait_gather(b):
            pltpu.make_async_copy(
                wt_h.at[pl.ds(0, CHUNK)],
                stage[b].at[:, pl.ds(0, D_WORD)], semg[b]).wait()

        def wait_idx(b):
            pltpu.make_async_copy(idx5_h.at[0], idx_v[b], semi[b]).wait()

        def wait_store(b):
            pltpu.make_async_copy(
                stage[b], out_h.at[pl.ds(0, CHUNK)], sems[b]).wait()

        def fill(b):
            ref = idx_v[b]

            def fill_step(kk, c2):
                tok = kk * 16 + iota
                sl = pl.ds(kk * 16, 16)
                zeros = _splat(0)
                ccol = ref[1, sl] * 16
                t = ref[2, sl]
                trow, tcol = t >> 2, (t & 3) * 32
                q1 = ref[3, sl]
                r1, b1 = q1 >> 2, (q1 & 3) * 32
                q2 = ref[4, sl]
                r2, b2 = q2 >> 2, (q2 & 3) * 32
                subsegs = (
                    (cap_v, zeros, ccol, 128),
                    (pt_v, trow, tcol, 144),
                    (pt_v, trow, tcol + 16, 160),
                    (p1_v, r1, b1, 176),
                    (p1_v, r1, b1 + 16, 192),
                    (p2_v, r2, b2, 208),
                    (p2_v, r2, b2 + 16, 224),
                )
                def jstep(j, c3):
                    rot = (iota + j) & 15
                    for tab, row, cb, dcol in subsegs:
                        v = plsc.load_gather(tab, [row, cb + rot])
                        plsc.store_scatter(stage[b], [tok, rot + dcol], v)
                    return c3

                lax.fori_loop(0, 16, jstep, 0)
                return c2

            lax.fori_loop(0, CHUNK // 16, fill_step, 0)

        for b in range(NBUF):
            pltpu.sync_copy(idx5_h.at[chunk0 + b], idx_v[b])
            issue_gather(b)

        def body(g, carry):
            for b in range(NBUF):
                c = g * NBUF + b

                @pl.when(c < N_CHUNKS)
                def _():
                    wait_gather(b)
                    fill(b)
                    pltpu.async_copy(
                        stage[b],
                        out_h.at[pl.ds((chunk0 + c) * CHUNK, CHUNK)], sems[b])

                @pl.when(c + NBUF < N_CHUNKS)
                def _():
                    pltpu.async_copy(
                        idx5_h.at[chunk0 + c + NBUF], idx_v[b], semi[b])

                cc = c + 2
                bb = (b + 2) % NBUF

                @pl.when((cc >= NBUF) & (cc < N_CHUNKS))
                def _():
                    wait_idx(bb)
                    wait_store(bb)
                    issue_gather(bb)

            return carry

        lax.fori_loop(0, N_GROUPS, body, 0)
        for b in range(NBUF):
            wait_store(b)

    return k(wt, ct, tt, p1t, p2t, idx5)


def kernel(word_table, cap_table, postag_table, pos1_table, pos2_table,
           word_inputs, feature_inputs_0, feature_inputs_1, word_seq_lengths,
           position1_inputs, position2_inputs):
    del word_seq_lengths
    idx5 = jnp.stack(
        [word_inputs.reshape(-1, CHUNK), feature_inputs_0.reshape(-1, CHUNK),
         feature_inputs_1.reshape(-1, CHUNK),
         position1_inputs.reshape(-1, CHUNK),
         position2_inputs.reshape(-1, CHUNK)], axis=1)
    out = _wordrep_sc(
        word_table, cap_table.reshape(1, 128), postag_table.reshape(16, 128),
        pos1_table.reshape(250, 128), pos2_table.reshape(250, 128), idx5)
    return out.reshape(B, L, D_OUT)

# --- scband reference (transcript-rebuilt; emitter-appended) ---
"""Pipeline reference for scband-word-rep-28501402976375 (READ-ONLY COPY).

The authoritative reference and input builder live on the scoring server;
editing this copy changes nothing except your own understanding.
"""

import jax, jax.numpy as jnp
import numpy as np

B, L = 1024, 200
WORD_V, WORD_D = 100000, 128
CAP_V, CAP_D = 8, 16
POS_V, POS_D = 64, 32
PPOS_V, PPOS_D = 1000, 32


def setup_inputs(seed: int = 0) -> dict:
    key = jax.random.key(seed)
    ks = jax.random.split(key, 11)
    scale_w = float(np.sqrt(3.0 / WORD_D))
    scale_c = float(np.sqrt(3.0 / CAP_D))
    scale_p = float(np.sqrt(3.0 / POS_D))
    scale_pp = float(np.sqrt(3.0 / PPOS_D))
    return {
        "word_table": jax.random.uniform(ks[0], (WORD_V, WORD_D), jnp.float32, -scale_w, scale_w),
        "cap_table": jax.random.uniform(ks[1], (CAP_V, CAP_D), jnp.float32, -scale_c, scale_c),
        "postag_table": jax.random.uniform(ks[2], (POS_V, POS_D), jnp.float32, -scale_p, scale_p),
        "pos1_table": jax.random.uniform(ks[3], (PPOS_V, PPOS_D), jnp.float32, -scale_pp, scale_pp),
        "pos2_table": jax.random.uniform(ks[4], (PPOS_V, PPOS_D), jnp.float32, -scale_pp, scale_pp),
        "word_inputs": jax.random.randint(ks[5], (B, L), 0, WORD_V, dtype=jnp.int32),
        "feature_inputs_0": jax.random.randint(ks[6], (B, L), 0, CAP_V, dtype=jnp.int32),
        "feature_inputs_1": jax.random.randint(ks[7], (B, L), 0, POS_V, dtype=jnp.int32),
        "word_seq_lengths": jnp.full((B,), L, dtype=jnp.int32),
        "position1_inputs": jax.random.randint(ks[8], (B, L), 0, PPOS_V, dtype=jnp.int32),
        "position2_inputs": jax.random.randint(ks[9], (B, L), 0, PPOS_V, dtype=jnp.int32),
    }


def reference(word_table, cap_table, postag_table, pos1_table, pos2_table,
              word_inputs, feature_inputs_0, feature_inputs_1, word_seq_lengths,
              position1_inputs, position2_inputs):
    # WordRep.forward with use_char=False, use_cap=True, use_postag=True, use_position=True.
    word_embs = jnp.take(word_table, word_inputs, axis=0)            # (B, L, 128)
    cap_embs = jnp.take(cap_table, feature_inputs_0, axis=0)         # (B, L, 16)
    postag_embs = jnp.take(postag_table, feature_inputs_1, axis=0)   # (B, L, 32)
    p1 = jnp.take(pos1_table, position1_inputs, axis=0)              # (B, L, 32)
    p2 = jnp.take(pos2_table, position2_inputs, axis=0)              # (B, L, 32)
    word_represent = jnp.concatenate([word_embs, cap_embs, postag_embs, p1, p2], axis=2)
    # nn.Dropout is identity in eval mode; reference runs deterministically.
    return word_represent

if __name__ == "__main__":
    import jax
    _d = setup_inputs()
    print(jax.jit(kernel)(*tuple(_d.values())))

</pallas_src>

<mosaic_0001>
#map = affine_map<(d0, d1) -> (0, 0)>
#map1 = affine_map<(d0, d1) -> (0, 0, 0)>
module attributes {stable_mosaic.version = 14 : i64} {
  func.func @k(%arg0: i32, %arg1: i32, %arg2: memref<100000x128xf32, #tpu.memory_space<hbm>>, %arg3: memref<1x128xf32, #tpu.memory_space<hbm>>, %arg4: memref<16x128xf32, #tpu.memory_space<hbm>>, %arg5: memref<250x128xf32, #tpu.memory_space<hbm>>, %arg6: memref<250x128xf32, #tpu.memory_space<hbm>>, %arg7: memref<3200x5x64xi32, #tpu.memory_space<hbm>>, %arg8: memref<204800x240xf32, #tpu.memory_space<hbm>>, %arg9: memref<5x64xi32, #tpu.memory_space<vmem>>, %arg10: memref<5x64xi32, #tpu.memory_space<vmem>>, %arg11: memref<5x64xi32, #tpu.memory_space<vmem>>, %arg12: memref<64x240xf32, #tpu.memory_space<vmem>>, %arg13: memref<64x240xf32, #tpu.memory_space<vmem>>, %arg14: memref<64x240xf32, #tpu.memory_space<vmem>>, %arg15: memref<1x128xf32, #tpu.memory_space<vmem>>, %arg16: memref<16x128xf32, #tpu.memory_space<vmem>>, %arg17: memref<250x128xf32, #tpu.memory_space<vmem>>, %arg18: memref<250x128xf32, #tpu.memory_space<vmem>>, %arg19: memref<!tpu.dma_semaphore, #tpu.memory_space<semaphore_mem>>, %arg20: memref<!tpu.dma_semaphore, #tpu.memory_space<semaphore_mem>>, %arg21: memref<!tpu.dma_semaphore, #tpu.memory_space<semaphore_mem>>, %arg22: memref<!tpu.dma_semaphore, #tpu.memory_space<semaphore_mem>>, %arg23: memref<!tpu.dma_semaphore, #tpu.memory_space<semaphore_mem>>, %arg24: memref<!tpu.dma_semaphore, #tpu.memory_space<semaphore_mem>>, %arg25: memref<!tpu.dma_semaphore, #tpu.memory_space<semaphore_mem>>, %arg26: memref<!tpu.dma_semaphore, #tpu.memory_space<semaphore_mem>>, %arg27: memref<!tpu.dma_semaphore, #tpu.memory_space<semaphore_mem>>) attributes {dimension_semantics = [#tpu.dimension_semantics<core_parallel>, #tpu.dimension_semantics<subcore_parallel>], iteration_bounds = array<i64: 2, 16>, scalar_prefetch = 0 : i64, scratch_operands = 19 : i64, tpu.core_type = #tpu.core_type<sc_vector_subcore>, window_params = [{transform_indices = #map}, {transform_indices = #map}, {transform_indices = #map}, {transform_indices = #map}, {transform_indices = #map}, {transform_indices = #map1}, {transform_indices = #map}]} {
    %mul3A = arith.constant 2 : i32
    %mul3A_0 = arith.muli %arg1, %mul3A : i32
    %add3A = arith.addi %mul3A_0, %arg0 : i32
    %mul3A_1 = arith.constant 100 : i32
    %mul3A_2 = arith.muli %add3A, %mul3A_1 : i32
    "tpu.region"() ({
      %run_scoped3A = tpu.sem_alloc : memref<!tpu.dma_semaphore, #tpu.memory_space<semaphore_mem>>
      tpu.enqueue_dma source(%arg3 : memref<1x128xf32, #tpu.memory_space<hbm>>) target(%arg15 : memref<1x128xf32, #tpu.memory_space<vmem>>) target_semaphore(%run_scoped3A : memref<!tpu.dma_semaphore, #tpu.memory_space<semaphore_mem>>)
      tpu.wait_dma2 semaphore(%run_scoped3A : memref<!tpu.dma_semaphore, #tpu.memory_space<semaphore_mem>>) src(%arg3 : memref<1x128xf32, #tpu.memory_space<hbm>>) dst(%arg15 : memref<1x128xf32, #tpu.memory_space<vmem>>)
      tpu.yield
    }) : () -> ()
    "tpu.region"() ({
      %run_scoped3A = tpu.sem_alloc : memref<!tpu.dma_semaphore, #tpu.memory_space<semaphore_mem>>
      tpu.enqueue_dma source(%arg4 : memref<16x128xf32, #tpu.memory_space<hbm>>) target(%arg16 : memref<16x128xf32, #tpu.memory_space<vmem>>) target_semaphore(%run_scoped3A : memref<!tpu.dma_semaphore, #tpu.memory_space<semaphore_mem>>)
      tpu.wait_dma2 semaphore(%run_scoped3A : memref<!tpu.dma_semaphore, #tpu.memory_space<semaphore_mem>>) src(%arg4 : memref<16x128xf32, #tpu.memory_space<hbm>>) dst(%arg16 : memref<16x128xf32, #tpu.memory_space<vmem>>)
      tpu.yield
    }) : () -> ()
    "tpu.region"() ({
      %run_scoped3A = tpu.sem_alloc : memref<!tpu.dma_semaphore, #tpu.memory_space<semaphore_mem>>
      tpu.enqueue_dma source(%arg5 : memref<250x128xf32, #tpu.memory_space<hbm>>) target(%arg17 : memref<250x128xf32, #tpu.memory_space<vmem>>) target_semaphore(%run_scoped3A : memref<!tpu.dma_semaphore, #tpu.memory_space<semaphore_mem>>)
      tpu.wait_dma2 semaphore(%run_scoped3A : memref<!tpu.dma_semaphore, #tpu.memory_space<semaphore_mem>>) src(%arg5 : memref<250x128xf32, #tpu.memory_space<hbm>>) dst(%arg17 : memref<250x128xf32, #tpu.memory_space<vmem>>)
      tpu.yield
    }) : () -> ()
    "tpu.region"() ({
      %run_scoped3A = tpu.sem_alloc : memref<!tpu.dma_semaphore, #tpu.memory_space<semaphore_mem>>
      tpu.enqueue_dma source(%arg6 : memref<250x128xf32, #tpu.memory_space<hbm>>) target(%arg18 : memref<250x128xf32, #tpu.memory_space<vmem>>) target_semaphore(%run_scoped3A : memref<!tpu.dma_semaphore, #tpu.memory_space<semaphore_mem>>)
      tpu.wait_dma2 semaphore(%run_scoped3A : memref<!tpu.dma_semaphore, #tpu.memory_space<semaphore_mem>>) src(%arg6 : memref<250x128xf32, #tpu.memory_space<hbm>>) dst(%arg18 : memref<250x128xf32, #tpu.memory_space<vmem>>)
      tpu.yield
    }) : () -> ()
    %iota3A = tpu.iota {dimensions = array<i32: 0>} : vector<16xi32>
    %add3A_3 = arith.constant 0 : i32
    %add3A_4 = arith.addi %mul3A_2, %add3A_3 : i32
    "tpu.region"() ({
      %run_scoped3A = tpu.sem_alloc : memref<!tpu.dma_semaphore, #tpu.memory_space<semaphore_mem>>
      %dma_start3A_60 = arith.constant 0 : i32
      %dma_start3A_61 = arith.constant 0 : i32
      %dma_start3A_62 = tpu.memref_slice %arg7[%add3A_4, %dma_start3A_60, %dma_start3A_61] : memref<3200x5x64xi32, #tpu.memory_space<hbm>> -> memref<1x5x64xi32, #tpu.memory_space<hbm>>
      %dma_start3A_63 = tpu.memref_squeeze %dma_start3A_62 : memref<1x5x64xi32, #tpu.memory_space<hbm>> -> memref<5x64xi32, #tpu.memory_space<hbm>>
      %dma_start3A_64 = arith.constant 0 : i32
      %dma_start3A_65 = arith.constant 0 : i32
      %dma_start3A_66 = tpu.memref_slice %arg7[%add3A_4, %dma_start3A_64, %dma_start3A_65] : memref<3200x5x64xi32, #tpu.memory_space<hbm>> -> memref<1x5x64xi32, #tpu.memory_space<hbm>>
      %dma_start3A_67 = tpu.memref_squeeze %dma_start3A_66 : memref<1x5x64xi32, #tpu.memory_space<hbm>> -> memref<5x64xi32, #tpu.memory_space<hbm>>
      tpu.enqueue_dma source(%dma_start3A_67 : memref<5x64xi32, #tpu.memory_space<hbm>>) target(%arg9 : memref<5x64xi32, #tpu.memory_space<vmem>>) target_semaphore(%run_scoped3A : memref<!tpu.dma_semaphore, #tpu.memory_space<semaphore_mem>>)
      %dma_wait3A_68 = arith.constant 0 : i32
      %dma_wait3A_69 = arith.constant 0 : i32
      %dma_wait3A_70 = tpu.memref_slice %arg7[%add3A_4, %dma_wait3A_68, %dma_wait3A_69] : memref<3200x5x64xi32, #tpu.memory_space<hbm>> -> memref<1x5x64xi32, #tpu.memory_space<hbm>>
      %dma_wait3A_71 = tpu.memref_squeeze %dma_wait3A_70 : memref<1x5x64xi32, #tpu.memory_space<hbm>> -> memref<5x64xi32, #tpu.memory_space<hbm>>
      %dma_wait3A_72 = arith.constant 0 : i32
      %dma_wait3A_73 = arith.constant 0 : i32
      %dma_wait3A_74 = tpu.memref_slice %arg7[%add3A_4, %dma_wait3A_72, %dma_wait3A_73] : memref<3200x5x64xi32, #tpu.memory_space<hbm>> -> memref<1x5x64xi32, #tpu.memory_space<hbm>>
      %dma_wait3A_75 = tpu.memref_squeeze %dma_wait3A_74 : memref<1x5x64xi32, #tpu.memory_space<hbm>> -> memref<5x64xi32, #tpu.memory_space<hbm>>
      tpu.wait_dma2 semaphore(%run_scoped3A : memref<!tpu.dma_semaphore, #tpu.memory_space<semaphore_mem>>) src(%dma_wait3A_75 : memref<5x64xi32, #tpu.memory_space<hbm>>) dst(%arg9 : memref<5x64xi32, #tpu.memory_space<vmem>>)
      tpu.yield
    }) : () -> ()
    %dma_start3A = arith.constant 0 : i32
    %dma_start3A_5 = arith.constant 0 : i32
    %dma_start3A_6 = arith.constant 0 : i32
    %dma_start3A_7 = tpu.memref_slice %arg12[%dma_start3A_5, %dma_start3A_6] : memref<64x240xf32, #tpu.memory_space<vmem>> -> memref<64x128xf32, #tpu.memory_space<vmem>>
    %dma_start3A_8 = arith.constant 0 : i32
    %dma_start3A_9 = tpu.memref_slice %arg9[%dma_start3A, %dma_start3A_8] : memref<5x64xi32, #tpu.memory_space<vmem>> -> memref<1x64xi32, #tpu.memory_space<vmem>>
    %dma_start3A_10 = tpu.memref_squeeze %dma_start3A_9 : memref<1x64xi32, #tpu.memory_space<vmem>> -> memref<64xi32, #tpu.memory_space<vmem>>
    %dma_start3A_11 = arith.constant 0 : i32
    %dma_start3A_12 = arith.constant 0 : i32
    %dma_start3A_13 = tpu.memref_slice %arg2[%dma_start3A_11, %dma_start3A_12] : memref<100000x128xf32, #tpu.memory_space<hbm>> -> memref<100000x128xf32, #tpu.memory_space<hbm>>
    tpu.enqueue_indirect_dma source(%dma_start3A_13 : memref<100000x128xf32, #tpu.memory_space<hbm>>) target(%dma_start3A_7 : memref<64x128xf32, #tpu.memory_space<vmem>>) offsets(%dma_start3A_10 : memref<64xi32, #tpu.memory_space<vmem>>) semaphore(%arg22 : memref<!tpu.dma_semaphore, #tpu.memory_space<semaphore_mem>>)
    %add3A_14 = arith.constant 1 : i32
    %add3A_15 = arith.addi %mul3A_2, %add3A_14 : i32
    "tpu.region"() ({
      %run_scoped3A = tpu.sem_alloc : memref<!tpu.dma_semaphore, #tpu.memory_space<semaphore_mem>>
      %dma_start3A_60 = arith.constant 0 : i32
      %dma_start3A_61 = arith.constant 0 : i32
      %dma_start3A_62 = tpu.memref_slice %arg7[%add3A_15, %dma_start3A_60, %dma_start3A_61] : memref<3200x5x64xi32, #tpu.memory_space<hbm>> -> memref<1x5x64xi32, #tpu.memory_space<hbm>>
      %dma_start3A_63 = tpu.memref_squeeze %dma_start3A_62 : memref<1x5x64xi32, #tpu.memory_space<hbm>> -> memref<5x64xi32, #tpu.memory_space<hbm>>
      %dma_start3A_64 = arith.constant 0 : i32
      %dma_start3A_65 = arith.constant 0 : i32
      %dma_start3A_66 = tpu.memref_slice %arg7[%add3A_15, %dma_start3A_64, %dma_start3A_65] : memref<3200x5x64xi32, #tpu.memory_space<hbm>> -> memref<1x5x64xi32, #tpu.memory_space<hbm>>
      %dma_start3A_67 = tpu.memref_squeeze %dma_start3A_66 : memref<1x5x64xi32, #tpu.memory_space<hbm>> -> memref<5x64xi32, #tpu.memory_space<hbm>>
      tpu.enqueue_dma source(%dma_start3A_67 : memref<5x64xi32, #tpu.memory_space<hbm>>) target(%arg10 : memref<5x64xi32, #tpu.memory_space<vmem>>) target_semaphore(%run_scoped3A : memref<!tpu.dma_semaphore, #tpu.memory_space<semaphore_mem>>)
      %dma_wait3A_68 = arith.constant 0 : i32
      %dma_wait3A_69 = arith.constant 0 : i32
      %dma_wait3A_70 = tpu.memref_slice %arg7[%add3A_15, %dma_wait3A_68, %dma_wait3A_69] : memref<3200x5x64xi32, #tpu.memory_space<hbm>> -> memref<1x5x64xi32, #tpu.memory_space<hbm>>
      %dma_wait3A_71 = tpu.memref_squeeze %dma_wait3A_70 : memref<1x5x64xi32, #tpu.memory_space<hbm>> -> memref<5x64xi32, #tpu.memory_space<hbm>>
      %dma_wait3A_72 = arith.constant 0 : i32
      %dma_wait3A_73 = arith.constant 0 : i32
      %dma_wait3A_74 = tpu.memref_slice %arg7[%add3A_15, %dma_wait3A_72, %dma_wait3A_73] : memref<3200x5x64xi32, #tpu.memory_space<hbm>> -> memref<1x5x64xi32, #tpu.memory_space<hbm>>
      %dma_wait3A_75 = tpu.memref_squeeze %dma_wait3A_74 : memref<1x5x64xi32, #tpu.memory_space<hbm>> -> memref<5x64xi32, #tpu.memory_space<hbm>>
      tpu.wait_dma2 semaphore(%run_scoped3A : memref<!tpu.dma_semaphore, #tpu.memory_space<semaphore_mem>>) src(%dma_wait3A_75 : memref<5x64xi32, #tpu.memory_space<hbm>>) dst(%arg10 : memref<5x64xi32, #tpu.memory_space<vmem>>)
      tpu.yield
    }) : () -> ()
    %dma_start3A_16 = arith.constant 0 : i32
    %dma_start3A_17 = arith.constant 0 : i32
    %dma_start3A_18 = arith.constant 0 : i32
    %dma_start3A_19 = tpu.memref_slice %arg13[%dma_start3A_17, %dma_start3A_18] : memref<64x240xf32, #tpu.memory_space<vmem>> -> memref<64x128xf32, #tpu.memory_space<vmem>>
    %dma_start3A_20 = arith.constant 0 : i32
    %dma_start3A_21 = tpu.memref_slice %arg10[%dma_start3A_16, %dma_start3A_20] : memref<5x64xi32, #tpu.memory_space<vmem>> -> memref<1x64xi32, #tpu.memory_space<vmem>>
    %dma_start3A_22 = tpu.memref_squeeze %dma_start3A_21 : memref<1x64xi32, #tpu.memory_space<vmem>> -> memref<64xi32, #tpu.memory_space<vmem>>
    %dma_start3A_23 = arith.constant 0 : i32
    %dma_start3A_24 = arith.constant 0 : i32
    %dma_start3A_25 = tpu.memref_slice %arg2[%dma_start3A_23, %dma_start3A_24] : memref<100000x128xf32, #tpu.memory_space<hbm>> -> memref<100000x128xf32, #tpu.memory_space<hbm>>
    tpu.enqueue_indirect_dma source(%dma_start3A_25 : memref<100000x128xf32, #tpu.memory_space<hbm>>) target(%dma_start3A_19 : memref<64x128xf32, #tpu.memory_space<vmem>>) offsets(%dma_start3A_22 : memref<64xi32, #tpu.memory_space<vmem>>) semaphore(%arg23 : memref<!tpu.dma_semaphore, #tpu.memory_space<semaphore_mem>>)
    %add3A_26 = arith.constant 2 : i32
    %add3A_27 = arith.addi %mul3A_2, %add3A_26 : i32
    "tpu.region"() ({
      %run_scoped3A = tpu.sem_alloc : memref<!tpu.dma_semaphore, #tpu.memory_space<semaphore_mem>>
      %dma_start3A_60 = arith.constant 0 : i32
      %dma_start3A_61 = arith.constant 0 : i32
      %dma_start3A_62 = tpu.memref_slice %arg7[%add3A_27, %dma_start3A_60, %dma_start3A_61] : memref<3200x5x64xi32, #tpu.memory_space<hbm>> -> memref<1x5x64xi32, #tpu.memory_space<hbm>>
      %dma_start3A_63 = tpu.memref_squeeze %dma_start3A_62 : memref<1x5x64xi32, #tpu.memory_space<hbm>> -> memref<5x64xi32, #tpu.memory_space<hbm>>
      %dma_start3A_64 = arith.constant 0 : i32
      %dma_start3A_65 = arith.constant 0 : i32
      %dma_start3A_66 = tpu.memref_slice %arg7[%add3A_27, %dma_start3A_64, %dma_start3A_65] : memref<3200x5x64xi32, #tpu.memory_space<hbm>> -> memref<1x5x64xi32, #tpu.memory_space<hbm>>
      %dma_start3A_67 = tpu.memref_squeeze %dma_start3A_66 : memref<1x5x64xi32, #tpu.memory_space<hbm>> -> memref<5x64xi32, #tpu.memory_space<hbm>>
      tpu.enqueue_dma source(%dma_start3A_67 : memref<5x64xi32, #tpu.memory_space<hbm>>) target(%arg11 : memref<5x64xi32, #tpu.memory_space<vmem>>) target_semaphore(%run_scoped3A : memref<!tpu.dma_semaphore, #tpu.memory_space<semaphore_mem>>)
      %dma_wait3A_68 = arith.constant 0 : i32
      %dma_wait3A_69 = arith.constant 0 : i32
      %dma_wait3A_70 = tpu.memref_slice %arg7[%add3A_27, %dma_wait3A_68, %dma_wait3A_69] : memref<3200x5x64xi32, #tpu.memory_space<hbm>> -> memref<1x5x64xi32, #tpu.memory_space<hbm>>
      %dma_wait3A_71 = tpu.memref_squeeze %dma_wait3A_70 : memref<1x5x64xi32, #tpu.memory_space<hbm>> -> memref<5x64xi32, #tpu.memory_space<hbm>>
      %dma_wait3A_72 = arith.constant 0 : i32
      %dma_wait3A_73 = arith.constant 0 : i32
      %dma_wait3A_74 = tpu.memref_slice %arg7[%add3A_27, %dma_wait3A_72, %dma_wait3A_73] : memref<3200x5x64xi32, #tpu.memory_space<hbm>> -> memref<1x5x64xi32, #tpu.memory_space<hbm>>
      %dma_wait3A_75 = tpu.memref_squeeze %dma_wait3A_74 : memref<1x5x64xi32, #tpu.memory_space<hbm>> -> memref<5x64xi32, #tpu.memory_space<hbm>>
      tpu.wait_dma2 semaphore(%run_scoped3A : memref<!tpu.dma_semaphore, #tpu.memory_space<semaphore_mem>>) src(%dma_wait3A_75 : memref<5x64xi32, #tpu.memory_space<hbm>>) dst(%arg11 : memref<5x64xi32, #tpu.memory_space<vmem>>)
      tpu.yield
    }) : () -> ()
    %dma_start3A_28 = arith.constant 0 : i32
    %dma_start3A_29 = arith.constant 0 : i32
    %dma_start3A_30 = arith.constant 0 : i32
    %dma_start3A_31 = tpu.memref_slice %arg14[%dma_start3A_29, %dma_start3A_30] : memref<64x240xf32, #tpu.memory_space<vmem>> -> memref<64x128xf32, #tpu.memory_space<vmem>>
    %dma_start3A_32 = arith.constant 0 : i32
    %dma_start3A_33 = tpu.memref_slice %arg11[%dma_start3A_28, %dma_start3A_32] : memref<5x64xi32, #tpu.memory_space<vmem>> -> memref<1x64xi32, #tpu.memory_space<vmem>>
    %dma_start3A_34 = tpu.memref_squeeze %dma_start3A_33 : memref<1x64xi32, #tpu.memory_space<vmem>> -> memref<64xi32, #tpu.memory_space<vmem>>
    %dma_start3A_35 = arith.constant 0 : i32
    %dma_start3A_36 = arith.constant 0 : i32
    %dma_start3A_37 = tpu.memref_slice %arg2[%dma_start3A_35, %dma_start3A_36] : memref<100000x128xf32, #tpu.memory_space<hbm>> -> memref<100000x128xf32, #tpu.memory_space<hbm>>
    tpu.enqueue_indirect_dma source(%dma_start3A_37 : memref<100000x128xf32, #tpu.memory_space<hbm>>) target(%dma_start3A_31 : memref<64x128xf32, #tpu.memory_space<vmem>>) offsets(%dma_start3A_34 : memref<64xi32, #tpu.memory_space<vmem>>) semaphore(%arg24 : memref<!tpu.dma_semaphore, #tpu.memory_space<semaphore_mem>>)
    %scan3A = arith.constant 0 : i32
    %scan3A_38 = arith.constant 0 : i32
    %scan3A_39 = arith.constant 34 : i32
    %scan3A_40 = arith.addi %scan3A_38, %scan3A_39 : i32
    %scan3A_41 = arith.constant 1 : i32
    scf.for %scan3A_60 = %scan3A_38 to %scan3A_40 step %scan3A_41  : i32 {
      %mul3A_61 = arith.constant 3 : i32
      %mul3A_62 = arith.muli %scan3A_60, %mul3A_61 : i32
      %add3A_63 = arith.constant 0 : i32
      %add3A_64 = arith.addi %mul3A_62, %add3A_63 : i32
      %lt3A = arith.constant 100 : i32
      %lt3A_65 = arith.cmpi slt, %add3A_64, %lt3A : i32
      %convert_element_type3A = arith.extui %lt3A_65 : i1 to i32
      %cond3A = arith.constant 0 : i32
      %cond3A_66 = arith.cmpi ne, %convert_element_type3A, %cond3A : i32
      scf.if %cond3A_66 {
        %dma_wait3A_134 = arith.constant 0 : i32
        %dma_wait3A_135 = arith.constant 0 : i32
        %dma_wait3A_136 = tpu.memref_slice %arg12[%dma_wait3A_134, %dma_wait3A_135] : memref<64x240xf32, #tpu.memory_space<vmem>> -> memref<64x128xf32, #tpu.memory_space<vmem>>
        %dma_wait3A_137 = arith.constant 0 : i32
        %dma_wait3A_138 = arith.constant 0 : i32
        %dma_wait3A_139 = tpu.memref_slice %arg2[%dma_wait3A_137, %dma_wait3A_138] : memref<100000x128xf32, #tpu.memory_space<hbm>> -> memref<64x128xf32, #tpu.memory_space<hbm>>
        %dma_wait3A_140 = arith.constant 0 : i32
        %dma_wait3A_141 = arith.constant 0 : i32
        %dma_wait3A_142 = tpu.memref_slice %arg12[%dma_wait3A_140, %dma_wait3A_141] : memref<64x240xf32, #tpu.memory_space<vmem>> -> memref<64x128xf32, #tpu.memory_space<vmem>>
        %dma_wait3A_143 = arith.constant 0 : i32
        %dma_wait3A_144 = arith.constant 0 : i32
        %dma_wait3A_145 = tpu.memref_slice %arg2[%dma_wait3A_143, %dma_wait3A_144] : memref<100000x128xf32, #tpu.memory_space<hbm>> -> memref<64x128xf32, #tpu.memory_space<hbm>>
        tpu.wait_dma2 semaphore(%arg22 : memref<!tpu.dma_semaphore, #tpu.memory_space<semaphore_mem>>) src(%dma_wait3A_145 : memref<64x128xf32, #tpu.memory_space<hbm>>) dst(%dma_wait3A_142 : memref<64x128xf32, #tpu.memory_space<vmem>>)
        %scan3A_146 = arith.constant 0 : i32
        %scan3A_147 = arith.constant 0 : i32
        %scan3A_148 = arith.constant 4 : i32
        %scan3A_149 = arith.addi %scan3A_147, %scan3A_148 : i32
        %scan3A_150 = arith.constant 1 : i32
        scf.for %scan3A_159 = %scan3A_147 to %scan3A_149 step %scan3A_150  : i32 {
          %mul3A_160 = arith.constant 16 : i32
          %mul3A_161 = arith.muli %scan3A_159, %mul3A_160 : i32
          %add3A_162 = vector.broadcast %mul3A_161 : i32 to vector<16xi32>
          %add3A_163 = arith.addi %add3A_162, %iota3A : vector<16xi32>
          %mul3A_164 = arith.constant 16 : i32
          %mul3A_165 = arith.muli %scan3A_159, %mul3A_164 : i32
          %broadcast_in_dim3A = arith.constant 0 : i32
          %broadcast_in_dim3A_166 = vector.broadcast %broadcast_in_dim3A : i32 to vector<16xi32>
          %get3A = arith.constant 1 : i32
          %get3A_167 = arith.index_cast %get3A : i32 to index
          %get3A_168 = arith.index_cast %mul3A_165 : i32 to index
          %get3A_169 = tpu.vector_load %arg9[%get3A_167, %get3A_168] {strides = array<i32>} : memref<5x64xi32, #tpu.memory_space<vmem>>, vector<16xi32>,
          %mul3A_170 = arith.constant 16 : i32
          %mul3A_171 = vector.broadcast %mul3A_170 : i32 to vector<16xi32>
          %mul3A_172 = arith.muli %get3A_169, %mul3A_171 : vector<16xi32>
          %get3A_173 = arith.constant 2 : i32
          %get3A_174 = arith.index_cast %get3A_173 : i32 to index
          %get3A_175 = arith.index_cast %mul3A_165 : i32 to index
          %get3A_176 = tpu.vector_load %arg9[%get3A_174, %get3A_175] {strides = array<i32>} : memref<5x64xi32, #tpu.memory_space<vmem>>, vector<16xi32>,
          %shift_right_arithmetic3A = arith.constant 2 : i32
          %shift_right_arithmetic3A_177 = vector.broadcast %shift_right_arithmetic3A : i32 to vector<16xi32>
          %shift_right_arithmetic3A_178 = arith.shrsi %get3A_176, %shift_right_arithmetic3A_177 : vector<16xi32>
          %and3A_179 = arith.constant 3 : i32
          %and3A_180 = vector.broadcast %and3A_179 : i32 to vector<16xi32>
          %and3A_181 = arith.andi %get3A_176, %and3A_180 : vector<16xi32>
          %mul3A_182 = arith.constant 32 : i32
          %mul3A_183 = vector.broadcast %mul3A_182 : i32 to vector<16xi32>
          %mul3A_184 = arith.muli %and3A_181, %mul3A_183 : vector<16xi32>
          %get3A_185 = arith.constant 3 : i32
          %get3A_186 = arith.index_cast %get3A_185 : i32 to index
          %get3A_187 = arith.index_cast %mul3A_165 : i32 to index
          %get3A_188 = tpu.vector_load %arg9[%get3A_186, %get3A_187] {strides = array<i32>} : memref<5x64xi32, #tpu.memory_space<vmem>>, vector<16xi32>,
          %shift_right_arithmetic3A_189 = arith.constant 2 : i32
          %shift_right_arithmetic3A_190 = vector.broadcast %shift_right_arithmetic3A_189 : i32 to vector<16xi32>
          %shift_right_arithmetic3A_191 = arith.shrsi %get3A_188, %shift_right_arithmetic3A_190 : vector<16xi32>
          %and3A_192 = arith.constant 3 : i32
          %and3A_193 = vector.broadcast %and3A_192 : i32 to vector<16xi32>
          %and3A_194 = arith.andi %get3A_188, %and3A_193 : vector<16xi32>
          %mul3A_195 = arith.constant 32 : i32
          %mul3A_196 = vector.broadcast %mul3A_195 : i32 to vector<16xi32>
          %mul3A_197 = arith.muli %and3A_194, %mul3A_196 : vector<16xi32>
          %get3A_198 = arith.constant 4 : i32
          %get3A_199 = arith.index_cast %get3A_198 : i32 to index
          %get3A_200 = arith.index_cast %mul3A_165 : i32 to index
          %get3A_201 = tpu.vector_load %arg9[%get3A_199, %get3A_200] {strides = array<i32>} : memref<5x64xi32, #tpu.memory_space<vmem>>, vector<16xi32>,
          %shift_right_arithmetic3A_202 = arith.constant 2 : i32
          %shift_right_arithmetic3A_203 = vector.broadcast %shift_right_arithmetic3A_202 : i32 to vector<16xi32>
          %shift_right_arithmetic3A_204 = arith.shrsi %get3A_201, %shift_right_arithmetic3A_203 : vector<16xi32>
          %and3A_205 = arith.constant 3 : i32
          %and3A_206 = vector.broadcast %and3A_205 : i32 to vector<16xi32>
          %and3A_207 = arith.andi %get3A_201, %and3A_206 : vector<16xi32>
          %mul3A_208 = arith.constant 32 : i32
          %mul3A_209 = vector.broadcast %mul3A_208 : i32 to vector<16xi32>
          %mul3A_210 = arith.muli %and3A_207, %mul3A_209 : vector<16xi32>
          %add3A_211 = arith.constant 16 : i32
          %add3A_212 = vector.broadcast %add3A_211 : i32 to vector<16xi32>
          %add3A_213 = arith.addi %mul3A_184, %add3A_212 : vector<16xi32>
          %add3A_214 = arith.constant 16 : i32
          %add3A_215 = vector.broadcast %add3A_214 : i32 to vector<16xi32>
          %add3A_216 = arith.addi %mul3A_197, %add3A_215 : vector<16xi32>
          %add3A_217 = arith.constant 16 : i32
          %add3A_218 = vector.broadcast %add3A_217 : i32 to vector<16xi32>
          %add3A_219 = arith.addi %mul3A_210, %add3A_218 : vector<16xi32>
          %scan3A_220 = arith.constant 0 : i32
          %scan3A_221 = arith.constant 0 : i32
          %scan3A_222 = arith.constant 16 : i32
          %scan3A_223 = arith.addi %scan3A_221, %scan3A_222 : i32
          %scan3A_224 = arith.constant 1 : i32
          scf.for %scan3A_226 = %scan3A_221 to %scan3A_223 step %scan3A_224  : i32 {
            %add3A_227 = vector.broadcast %scan3A_226 : i32 to vector<16xi32>
            %add3A_228 = arith.addi %iota3A, %add3A_227 : vector<16xi32>
            %and3A_229 = arith.constant 15 : i32
            %and3A_230 = vector.broadcast %and3A_229 : i32 to vector<16xi32>
            %and3A_231 = arith.andi %add3A_228, %and3A_230 : vector<16xi32>
            %add3A_232 = arith.addi %mul3A_172, %and3A_231 : vector<16xi32>
            %gather3A = tpu.vector_load_idx %arg15[%broadcast_in_dim3A_166, %add3A_232] : memref<1x128xf32, #tpu.memory_space<vmem>>[vector<16xi32>, vector<16xi32>], vector<16xf32>,
            %add3A_233 = arith.constant 128 : i32
            %add3A_234 = vector.broadcast %add3A_233 : i32 to vector<16xi32>
            %add3A_235 = arith.addi %and3A_231, %add3A_234 : vector<16xi32>
            tpu.vector_store_idx %arg12[%add3A_163, %add3A_235], %gather3A : memref<64x240xf32, #tpu.memory_space<vmem>>[vector<16xi32>, vector<16xi32>], vector<16xf32>,
            %add3A_236 = arith.addi %mul3A_184, %and3A_231 : vector<16xi32>
            %gather3A_237 = tpu.vector_load_idx %arg16[%shift_right_arithmetic3A_178, %add3A_236] : memref<16x128xf32, #tpu.memory_space<vmem>>[vector<16xi32>, vector<16xi32>], vector<16xf32>,
            %add3A_238 = arith.constant 144 : i32
            %add3A_239 = vector.broadcast %add3A_238 : i32 to vector<16xi32>
            %add3A_240 = arith.addi %and3A_231, %add3A_239 : vector<16xi32>
            tpu.vector_store_idx %arg12[%add3A_163, %add3A_240], %gather3A_237 : memref<64x240xf32, #tpu.memory_space<vmem>>[vector<16xi32>, vector<16xi32>], vector<16xf32>,
            %add3A_241 = arith.addi %add3A_213, %and3A_231 : vector<16xi32>
            %gather3A_242 = tpu.vector_load_idx %arg16[%shift_right_arithmetic3A_178, %add3A_241] : memref<16x128xf32, #tpu.memory_space<vmem>>[vector<16xi32>, vector<16xi32>], vector<16xf32>,
            %add3A_243 = arith.constant 160 : i32
            %add3A_244 = vector.broadcast %add3A_243 : i32 to vector<16xi32>
            %add3A_245 = arith.addi %and3A_231, %add3A_244 : vector<16xi32>
            tpu.vector_store_idx %arg12[%add3A_163, %add3A_245], %gather3A_242 : memref<64x240xf32, #tpu.memory_space<vmem>>[vector<16xi32>, vector<16xi32>], vector<16xf32>,
            %add3A_246 = arith.addi %mul3A_197, %and3A_231 : vector<16xi32>
            %gather3A_247 = tpu.vector_load_idx %arg17[%shift_right_arithmetic3A_191, %add3A_246] : memref<250x128xf32, #tpu.memory_space<vmem>>[vector<16xi32>, vector<16xi32>], vector<16xf32>,
            %add3A_248 = arith.constant 176 : i32
            %add3A_249 = vector.broadcast %add3A_248 : i32 to vector<16xi32>
            %add3A_250 = arith.addi %and3A_231, %add3A_249 : vector<16xi32>
            tpu.vector_store_idx %arg12[%add3A_163, %add3A_250], %gather3A_247 : memref<64x240xf32, #tpu.memory_space<vmem>>[vector<16xi32>, vector<16xi32>], vector<16xf32>,
            %add3A_251 = arith.addi %add3A_216, %and3A_231 : vector<16xi32>
            %gather3A_252 = tpu.vector_load_idx %arg17[%shift_right_arithmetic3A_191, %add3A_251] : memref<250x128xf32, #tpu.memory_space<vmem>>[vector<16xi32>, vector<16xi32>], vector<16xf32>,
            %add3A_253 = arith.constant 192 : i32
            %add3A_254 = vector.broadcast %add3A_253 : i32 to vector<16xi32>
            %add3A_255 = arith.addi %and3A_231, %add3A_254 : vector<16xi32>
            tpu.vector_store_idx %arg12[%add3A_163, %add3A_255], %gather3A_252 : memref<64x240xf32, #tpu.memory_space<vmem>>[vector<16xi32>, vector<16xi32>], vector<16xf32>,
            %add3A_256 = arith.addi %mul3A_210, %and3A_231 : vector<16xi32>
            %gather3A_257 = tpu.vector_load_idx %arg18[%shift_right_arithmetic3A_204, %add3A_256] : memref<250x128xf32, #tpu.memory_space<vmem>>[vector<16xi32>, vector<16xi32>], vector<16xf32>,
            %add3A_258 = arith.constant 208 : i32
            %add3A_259 = vector.broadcast %add3A_258 : i32 to vector<16xi32>
            %add3A_260 = arith.addi %and3A_231, %add3A_259 : vector<16xi32>
            tpu.vector_store_idx %arg12[%add3A_163, %add3A_260], %gather3A_257 : memref<64x240xf32, #tpu.memory_space<vmem>>[vector<16xi32>, vector<16xi32>], vector<16xf32>,
            %add3A_261 = arith.addi %add3A_219, %and3A_231 : vector<16xi32>
            %gather3A_262 = tpu.vector_load_idx %arg18[%shift_right_arithmetic3A_204, %add3A_261] : memref<250x128xf32, #tpu.memory_space<vmem>>[vector<16xi32>, vector<16xi32>], vector<16xf32>,
            %add3A_263 = arith.constant 224 : i32
            %add3A_264 = vector.broadcast %add3A_263 : i32 to vector<16xi32>
            %add3A_265 = arith.addi %and3A_231, %add3A_264 : vector<16xi32>
            tpu.vector_store_idx %arg12[%add3A_163, %add3A_265], %gather3A_262 : memref<64x240xf32, #tpu.memory_space<vmem>>[vector<16xi32>, vector<16xi32>], vector<16xf32>,
          }
          %scan3A_225 = arith.constant 16 : i32
        }
        %scan3A_151 = arith.constant 4 : i32
        %add3A_152 = arith.addi %mul3A_2, %add3A_64 : i32
        %mul3A_153 = arith.constant 64 : i32
        %mul3A_154 = arith.muli %add3A_152, %mul3A_153 : i32
        %dma_start3A_155 = arith.constant 0 : i32
        %dma_start3A_156 = tpu.memref_slice %arg8[%mul3A_154, %dma_start3A_155] : memref<204800x240xf32, #tpu.memory_space<hbm>> -> memref<64x240xf32, #tpu.memory_space<hbm>>
        %dma_start3A_157 = arith.constant 0 : i32
        %dma_start3A_158 = tpu.memref_slice %arg8[%mul3A_154, %dma_start3A_157] : memref<204800x240xf32, #tpu.memory_space<hbm>> -> memref<64x240xf32, #tpu.memory_space<hbm>>
        tpu.enqueue_dma source(%arg12 : memref<64x240xf32, #tpu.memory_space<vmem>>) target(%dma_start3A_158 : memref<64x240xf32, #tpu.memory_space<hbm>>) target_semaphore(%arg25 : memref<!tpu.dma_semaphore, #tpu.memory_space<semaphore_mem>>)
      } else {
      }
      %add3A_67 = arith.constant 3 : i32
      %add3A_68 = arith.addi %add3A_64, %add3A_67 : i32
      %lt3A_69 = arith.constant 100 : i32
      %lt3A_70 = arith.cmpi slt, %add3A_68, %lt3A_69 : i32
      %convert_element_type3A_71 = arith.extui %lt3A_70 : i1 to i32
      %cond3A_72 = arith.constant 0 : i32
      %cond3A_73 = arith.cmpi ne, %convert_element_type3A_71, %cond3A_72 : i32
      scf.if %cond3A_73 {
        %add3A_134 = arith.addi %mul3A_2, %add3A_64 : i32
        %add3A_135 = arith.constant 3 : i32
        %add3A_136 = arith.addi %add3A_134, %add3A_135 : i32
        %dma_start3A_137 = arith.constant 0 : i32
        %dma_start3A_138 = arith.constant 0 : i32
        %dma_start3A_139 = tpu.memref_slice %arg7[%add3A_136, %dma_start3A_137, %dma_start3A_138] : memref<3200x5x64xi32, #tpu.memory_space<hbm>> -> memref<1x5x64xi32, #tpu.memory_space<hbm>>
        %dma_start3A_140 = tpu.memref_squeeze %dma_start3A_139 : memref<1x5x64xi32, #tpu.memory_space<hbm>> -> memref<5x64xi32, #tpu.memory_space<hbm>>
        %dma_start3A_141 = arith.constant 0 : i32
        %dma_start3A_142 = arith.constant 0 : i32
        %dma_start3A_143 = tpu.memref_slice %arg7[%add3A_136, %dma_start3A_141, %dma_start3A_142] : memref<3200x5x64xi32, #tpu.memory_space<hbm>> -> memref<1x5x64xi32, #tpu.memory_space<hbm>>
        %dma_start3A_144 = tpu.memref_squeeze %dma_start3A_143 : memref<1x5x64xi32, #tpu.memory_space<hbm>> -> memref<5x64xi32, #tpu.memory_space<hbm>>
        tpu.enqueue_dma source(%dma_start3A_144 : memref<5x64xi32, #tpu.memory_space<hbm>>) target(%arg9 : memref<5x64xi32, #tpu.memory_space<vmem>>) target_semaphore(%arg19 : memref<!tpu.dma_semaphore, #tpu.memory_space<semaphore_mem>>)
      } else {
      }
      %add3A_74 = arith.constant 2 : i32
      %add3A_75 = arith.addi %add3A_64, %add3A_74 : i32
      %ge3A = arith.constant 3 : i32
      %ge3A_76 = arith.cmpi sge, %add3A_75, %ge3A : i32
      %lt3A_77 = arith.constant 100 : i32
      %lt3A_78 = arith.cmpi slt, %add3A_75, %lt3A_77 : i32
      %and3A = arith.andi %ge3A_76, %lt3A_78 : i1
      %convert_element_type3A_79 = arith.extui %and3A : i1 to i32
      %cond3A_80 = arith.constant 0 : i32
      %cond3A_81 = arith.cmpi ne, %convert_element_type3A_79, %cond3A_80 : i32
      scf.if %cond3A_81 {
        %dma_wait3A_134 = arith.constant 0 : i32
        %dma_wait3A_135 = arith.constant 0 : i32
        %dma_wait3A_136 = arith.constant 0 : i32
        %dma_wait3A_137 = tpu.memref_slice %arg7[%dma_wait3A_134, %dma_wait3A_135, %dma_wait3A_136] : memref<3200x5x64xi32, #tpu.memory_space<hbm>> -> memref<1x5x64xi32, #tpu.memory_space<hbm>>
        %dma_wait3A_138 = tpu.memref_squeeze %dma_wait3A_137 : memref<1x5x64xi32, #tpu.memory_space<hbm>> -> memref<5x64xi32, #tpu.memory_space<hbm>>
        %dma_wait3A_139 = arith.constant 0 : i32
        %dma_wait3A_140 = arith.constant 0 : i32
        %dma_wait3A_141 = tpu.memref_slice %arg7[%dma_wait3A_134, %dma_wait3A_139, %dma_wait3A_140] : memref<3200x5x64xi32, #tpu.memory_space<hbm>> -> memref<1x5x64xi32, #tpu.memory_space<hbm>>
        %dma_wait3A_142 = tpu.memref_squeeze %dma_wait3A_141 : memref<1x5x64xi32, #tpu.memory_space<hbm>> -> memref<5x64xi32, #tpu.memory_space<hbm>>
        tpu.wait_dma2 semaphore(%arg21 : memref<!tpu.dma_semaphore, #tpu.memory_space<semaphore_mem>>) src(%dma_wait3A_142 : memref<5x64xi32, #tpu.memory_space<hbm>>) dst(%arg11 : memref<5x64xi32, #tpu.memory_space<vmem>>)
        %dma_wait3A_143 = arith.constant 0 : i32
        %dma_wait3A_144 = arith.constant 0 : i32
        %dma_wait3A_145 = tpu.memref_slice %arg8[%dma_wait3A_143, %dma_wait3A_144] : memref<204800x240xf32, #tpu.memory_space<hbm>> -> memref<64x240xf32, #tpu.memory_space<hbm>>
        %dma_wait3A_146 = arith.constant 0 : i32
        %dma_wait3A_147 = arith.constant 0 : i32
        %dma_wait3A_148 = tpu.memref_slice %arg8[%dma_wait3A_146, %dma_wait3A_147] : memref<204800x240xf32, #tpu.memory_space<hbm>> -> memref<64x240xf32, #tpu.memory_space<hbm>>
        tpu.wait_dma2 semaphore(%arg27 : memref<!tpu.dma_semaphore, #tpu.memory_space<semaphore_mem>>) src(%arg14 : memref<64x240xf32, #tpu.memory_space<vmem>>) dst(%dma_wait3A_148 : memref<64x240xf32, #tpu.memory_space<hbm>>)
        %dma_start3A_149 = arith.constant 0 : i32
        %dma_start3A_150 = arith.constant 0 : i32
        %dma_start3A_151 = arith.constant 0 : i32
        %dma_start3A_152 = tpu.memref_slice %arg14[%dma_start3A_150, %dma_start3A_151] : memref<64x240xf32, #tpu.memory_space<vmem>> -> memref<64x128xf32, #tpu.memory_space<vmem>>
        %dma_start3A_153 = arith.constant 0 : i32
        %dma_start3A_154 = tpu.memref_slice %arg11[%dma_start3A_149, %dma_start3A_153] : memref<5x64xi32, #tpu.memory_space<vmem>> -> memref<1x64xi32, #tpu.memory_space<vmem>>
        %dma_start3A_155 = tpu.memref_squeeze %dma_start3A_154 : memref<1x64xi32, #tpu.memory_space<vmem>> -> memref<64xi32, #tpu.memory_space<vmem>>
        %dma_start3A_156 = arith.constant 0 : i32
        %dma_start3A_157 = arith.constant 0 : i32
        %dma_start3A_158 = tpu.memref_slice %arg2[%dma_start3A_156, %dma_start3A_157] : memref<100000x128xf32, #tpu.memory_space<hbm>> -> memref<100000x128xf32, #tpu.memory_space<hbm>>
        tpu.enqueue_indirect_dma source(%dma_start3A_158 : memref<100000x128xf32, #tpu.memory_space<hbm>>) target(%dma_start3A_152 : memref<64x128xf32, #tpu.memory_space<vmem>>) offsets(%dma_start3A_155 : memref<64xi32, #tpu.memory_space<vmem>>) semaphore(%arg24 : memref<!tpu.dma_semaphore, #tpu.memory_space<semaphore_mem>>)
      } else {
      }
      %mul3A_82 = arith.constant 3 : i32
      %mul3A_83 = arith.muli %scan3A_60, %mul3A_82 : i32
      %add3A_84 = arith.constant 1 : i32
      %add3A_85 = arith.addi %mul3A_83, %add3A_84 : i32
      %lt3A_86 = arith.constant 100 : i32
      %lt3A_87 = arith.cmpi slt, %add3A_85, %lt3A_86 : i32
      %convert_element_type3A_88 = arith.extui %lt3A_87 : i1 to i32
      %cond3A_89 = arith.constant 0 : i32
      %cond3A_90 = arith.cmpi ne, %convert_element_type3A_88, %cond3A_89 : i32
      scf.if %cond3A_90 {
        %dma_wait3A_134 = arith.constant 0 : i32
        %dma_wait3A_135 = arith.constant 0 : i32
        %dma_wait3A_136 = tpu.memref_slice %arg13[%dma_wait3A_134, %dma_wait3A_135] : memref<64x240xf32, #tpu.memory_space<vmem>> -> memref<64x128xf32, #tpu.memory_space<vmem>>
        %dma_wait3A_137 = arith.constant 0 : i32
        %dma_wait3A_138 = arith.constant 0 : i32
        %dma_wait3A_139 = tpu.memref_slice %arg2[%dma_wait3A_137, %dma_wait3A_138] : memref<100000x128xf32, #tpu.memory_space<hbm>> -> memref<64x128xf32, #tpu.memory_space<hbm>>
        %dma_wait3A_140 = arith.constant 0 : i32
        %dma_wait3A_141 = arith.constant 0 : i32
        %dma_wait3A_142 = tpu.memref_slice %arg13[%dma_wait3A_140, %dma_wait3A_141] : memref<64x240xf32, #tpu.memory_space<vmem>> -> memref<64x128xf32, #tpu.memory_space<vmem>>
        %dma_wait3A_143 = arith.constant 0 : i32
        %dma_wait3A_144 = arith.constant 0 : i32
        %dma_wait3A_145 = tpu.memref_slice %arg2[%dma_wait3A_143, %dma_wait3A_144] : memref<100000x128xf32, #tpu.memory_space<hbm>> -> memref<64x128xf32, #tpu.memory_space<hbm>>
        tpu.wait_dma2 semaphore(%arg23 : memref<!tpu.dma_semaphore, #tpu.memory_space<semaphore_mem>>) src(%dma_wait3A_145 : memref<64x128xf32, #tpu.memory_space<hbm>>) dst(%dma_wait3A_142 : memref<64x128xf32, #tpu.memory_space<vmem>>)
        %scan3A_146 = arith.constant 0 : i32
        %scan3A_147 = arith.constant 0 : i32
        %scan3A_148 = arith.constant 4 : i32
        %scan3A_149 = arith.addi %scan3A_147, %scan3A_148 : i32
        %scan3A_150 = arith.constant 1 : i32
        scf.for %scan3A_159 = %scan3A_147 to %scan3A_149 step %scan3A_150  : i32 {
          %mul3A_160 = arith.constant 16 : i32
          %mul3A_161 = arith.muli %scan3A_159, %mul3A_160 : i32
          %add3A_162 = vector.broadcast %mul3A_161 : i32 to vector<16xi32>
          %add3A_163 = arith.addi %add3A_162, %iota3A : vector<16xi32>
          %mul3A_164 = arith.constant 16 : i32
          %mul3A_165 = arith.muli %scan3A_159, %mul3A_164 : i32
          %broadcast_in_dim3A = arith.constant 0 : i32
          %broadcast_in_dim3A_166 = vector.broadcast %broadcast_in_dim3A : i32 to vector<16xi32>
          %get3A = arith.constant 1 : i32
          %get3A_167 = arith.index_cast %get3A : i32 to index
          %get3A_168 = arith.index_cast %mul3A_165 : i32 to index
          %get3A_169 = tpu.vector_load %arg10[%get3A_167, %get3A_168] {strides = array<i32>} : memref<5x64xi32, #tpu.memory_space<vmem>>, vector<16xi32>,
          %mul3A_170 = arith.constant 16 : i32
          %mul3A_171 = vector.broadcast %mul3A_170 : i32 to vector<16xi32>
          %mul3A_172 = arith.muli %get3A_169, %mul3A_171 : vector<16xi32>
          %get3A_173 = arith.constant 2 : i32
          %get3A_174 = arith.index_cast %get3A_173 : i32 to index
          %get3A_175 = arith.index_cast %mul3A_165 : i32 to index
          %get3A_176 = tpu.vector_load %arg10[%get3A_174, %get3A_175] {strides = array<i32>} : memref<5x64xi32, #tpu.memory_space<vmem>>, vector<16xi32>,
          %shift_right_arithmetic3A = arith.constant 2 : i32
          %shift_right_arithmetic3A_177 = vector.broadcast %shift_right_arithmetic3A : i32 to vector<16xi32>
          %shift_right_arithmetic3A_178 = arith.shrsi %get3A_176, %shift_right_arithmetic3A_177 : vector<16xi32>
          %and3A_179 = arith.constant 3 : i32
          %and3A_180 = vector.broadcast %and3A_179 : i32 to vector<16xi32>
          %and3A_181 = arith.andi %get3A_176, %and3A_180 : vector<16xi32>
          %mul3A_182 = arith.constant 32 : i32
          %mul3A_183 = vector.broadcast %mul3A_182 : i32 to vector<16xi32>
          %mul3A_184 = arith.muli %and3A_181, %mul3A_183 : vector<16xi32>
          %get3A_185 = arith.constant 3 : i32
          %get3A_186 = arith.index_cast %get3A_185 : i32 to index
          %get3A_187 = arith.index_cast %mul3A_165 : i32 to index
          %get3A_188 = tpu.vector_load %arg10[%get3A_186, %get3A_187] {strides = array<i32>} : memref<5x64xi32, #tpu.memory_space<vmem>>, vector<16xi32>,
          %shift_right_arithmetic3A_189 = arith.constant 2 : i32
          %shift_right_arithmetic3A_190 = vector.broadcast %shift_right_arithmetic3A_189 : i32 to vector<16xi32>
          %shift_right_arithmetic3A_191 = arith.shrsi %get3A_188, %shift_right_arithmetic3A_190 : vector<16xi32>
          %and3A_192 = arith.constant 3 : i32
          %and3A_193 = vector.broadcast %and3A_192 : i32 to vector<16xi32>
          %and3A_194 = arith.andi %get3A_188, %and3A_193 : vector<16xi32>
          %mul3A_195 = arith.constant 32 : i32
          %mul3A_196 = vector.broadcast %mul3A_195 : i32 to vector<16xi32>
          %mul3A_197 = arith.muli %and3A_194, %mul3A_196 : vector<16xi32>
          %get3A_198 = arith.constant 4 : i32
          %get3A_199 = arith.index_cast %get3A_198 : i32 to index
          %get3A_200 = arith.index_cast %mul3A_165 : i32 to index
          %get3A_201 = tpu.vector_load %arg10[%get3A_199, %get3A_200] {strides = array<i32>} : memref<5x64xi32, #tpu.memory_space<vmem>>, vector<16xi32>,
          %shift_right_arithmetic3A_202 = arith.constant 2 : i32
          %shift_right_arithmetic3A_203 = vector.broadcast %shift_right_arithmetic3A_202 : i32 to vector<16xi32>
          %shift_right_arithmetic3A_204 = arith.shrsi %get3A_201, %shift_right_arithmetic3A_203 : vector<16xi32>
          %and3A_205 = arith.constant 3 : i32
          %and3A_206 = vector.broadcast %and3A_205 : i32 to vector<16xi32>
          %and3A_207 = arith.andi %get3A_201, %and3A_206 : vector<16xi32>
          %mul3A_208 = arith.constant 32 : i32
          %mul3A_209 = vector.broadcast %mul3A_208 : i32 to vector<16xi32>
          %mul3A_210 = arith.muli %and3A_207, %mul3A_209 : vector<16xi32>
          %add3A_211 = arith.constant 16 : i32
          %add3A_212 = vector.broadcast %add3A_211 : i32 to vector<16xi32>
          %add3A_213 = arith.addi %mul3A_184, %add3A_212 : vector<16xi32>
          %add3A_214 = arith.constant 16 : i32
          %add3A_215 = vector.broadcast %add3A_214 : i32 to vector<16xi32>
          %add3A_216 = arith.addi %mul3A_197, %add3A_215 : vector<16xi32>
          %add3A_217 = arith.constant 16 : i32
          %add3A_218 = vector.broadcast %add3A_217 : i32 to vector<16xi32>
          %add3A_219 = arith.addi %mul3A_210, %add3A_218 : vector<16xi32>
          %scan3A_220 = arith.constant 0 : i32
          %scan3A_221 = arith.constant 0 : i32
          %scan3A_222 = arith.constant 16 : i32
          %scan3A_223 = arith.addi %scan3A_221, %scan3A_222 : i32
          %scan3A_224 = arith.constant 1 : i32
          scf.for %scan3A_226 = %scan3A_221 to %scan3A_223 step %scan3A_224  : i32 {
            %add3A_227 = vector.broadcast %scan3A_226 : i32 to vector<16xi32>
            %add3A_228 = arith.addi %iota3A, %add3A_227 : vector<16xi32>
            %and3A_229 = arith.constant 15 : i32
            %and3A_230 = vector.broadcast %and3A_229 : i32 to vector<16xi32>
            %and3A_231 = arith.andi %add3A_228, %and3A_230 : vector<16xi32>
            %add3A_232 = arith.addi %mul3A_172, %and3A_231 : vector<16xi32>
            %gather3A = tpu.vector_load_idx %arg15[%broadcast_in_dim3A_166, %add3A_232] : memref<1x128xf32, #tpu.memory_space<vmem>>[vector<16xi32>, vector<16xi32>], vector<16xf32>,
            %add3A_233 = arith.constant 128 : i32
            %add3A_234 = vector.broadcast %add3A_233 : i32 to vector<16xi32>
            %add3A_235 = arith.addi %and3A_231, %add3A_234 : vector<16xi32>
            tpu.vector_store_idx %arg13[%add3A_163, %add3A_235], %gather3A : memref<64x240xf32, #tpu.memory_space<vmem>>[vector<16xi32>, vector<16xi32>], vector<16xf32>,
            %add3A_236 = arith.addi %mul3A_184, %and3A_231 : vector<16xi32>
            %gather3A_237 = tpu.vector_load_idx %arg16[%shift_right_arithmetic3A_178, %add3A_236] : memref<16x128xf32, #tpu.memory_space<vmem>>[vector<16xi32>, vector<16xi32>], vector<16xf32>,
            %add3A_238 = arith.constant 144 : i32
            %add3A_239 = vector.broadcast %add3A_238 : i32 to vector<16xi32>
            %add3A_240 = arith.addi %and3A_231, %add3A_239 : vector<16xi32>
            tpu.vector_store_idx %arg13[%add3A_163, %add3A_240], %gather3A_237 : memref<64x240xf32, #tpu.memory_space<vmem>>[vector<16xi32>, vector<16xi32>], vector<16xf32>,
            %add3A_241 = arith.addi %add3A_213, %and3A_231 : vector<16xi32>
            %gather3A_242 = tpu.vector_load_idx %arg16[%shift_right_arithmetic3A_178, %add3A_241] : memref<16x128xf32, #tpu.memory_space<vmem>>[vector<16xi32>, vector<16xi32>], vector<16xf32>,
            %add3A_243 = arith.constant 160 : i32
            %add3A_244 = vector.broadcast %add3A_243 : i32 to vector<16xi32>
            %add3A_245 = arith.addi %and3A_231, %add3A_244 : vector<16xi32>
            tpu.vector_store_idx %arg13[%add3A_163, %add3A_245], %gather3A_242 : memref<64x240xf32, #tpu.memory_space<vmem>>[vector<16xi32>, vector<16xi32>], vector<16xf32>,
            %add3A_246 = arith.addi %mul3A_197, %and3A_231 : vector<16xi32>
            %gather3A_247 = tpu.vector_load_idx %arg17[%shift_right_arithmetic3A_191, %add3A_246] : memref<250x128xf32, #tpu.memory_space<vmem>>[vector<16xi32>, vector<16xi32>], vector<16xf32>,
            %add3A_248 = arith.constant 176 : i32
            %add3A_249 = vector.broadcast %add3A_248 : i32 to vector<16xi32>
            %add3A_250 = arith.addi %and3A_231, %add3A_249 : vector<16xi32>
            tpu.vector_store_idx %arg13[%add3A_163, %add3A_250], %gather3A_247 : memref<64x240xf32, #tpu.memory_space<vmem>>[vector<16xi32>, vector<16xi32>], vector<16xf32>,
            %add3A_251 = arith.addi %add3A_216, %and3A_231 : vector<16xi32>
            %gather3A_252 = tpu.vector_load_idx %arg17[%shift_right_arithmetic3A_191, %add3A_251] : memref<250x128xf32, #tpu.memory_space<vmem>>[vector<16xi32>, vector<16xi32>], vector<16xf32>,
            %add3A_253 = arith.constant 192 : i32
            %add3A_254 = vector.broadcast %add3A_253 : i32 to vector<16xi32>
            %add3A_255 = arith.addi %and3A_231, %add3A_254 : vector<16xi32>
            tpu.vector_store_idx %arg13[%add3A_163, %add3A_255], %gather3A_252 : memref<64x240xf32, #tpu.memory_space<vmem>>[vector<16xi32>, vector<16xi32>], vector<16xf32>,
            %add3A_256 = arith.addi %mul3A_210, %and3A_231 : vector<16xi32>
            %gather3A_257 = tpu.vector_load_idx %arg18[%shift_right_arithmetic3A_204, %add3A_256] : memref<250x128xf32, #tpu.memory_space<vmem>>[vector<16xi32>, vector<16xi32>], vector<16xf32>,
            %add3A_258 = arith.constant 208 : i32
            %add3A_259 = vector.broadcast %add3A_258 : i32 to vector<16xi32>
            %add3A_260 = arith.addi %and3A_231, %add3A_259 : vector<16xi32>
            tpu.vector_store_idx %arg13[%add3A_163, %add3A_260], %gather3A_257 : memref<64x240xf32, #tpu.memory_space<vmem>>[vector<16xi32>, vector<16xi32>], vector<16xf32>,
            %add3A_261 = arith.addi %add3A_219, %and3A_231 : vector<16xi32>
            %gather3A_262 = tpu.vector_load_idx %arg18[%shift_right_arithmetic3A_204, %add3A_261] : memref<250x128xf32, #tpu.memory_space<vmem>>[vector<16xi32>, vector<16xi32>], vector<16xf32>,
            %add3A_263 = arith.constant 224 : i32
            %add3A_264 = vector.broadcast %add3A_263 : i32 to vector<16xi32>
            %add3A_265 = arith.addi %and3A_231, %add3A_264 : vector<16xi32>
            tpu.vector_store_idx %arg13[%add3A_163, %add3A_265], %gather3A_262 : memref<64x240xf32, #tpu.memory_space<vmem>>[vector<16xi32>, vector<16xi32>], vector<16xf32>,
          }
          %scan3A_225 = arith.constant 16 : i32
        }
        %scan3A_151 = arith.constant 4 : i32
        %add3A_152 = arith.addi %mul3A_2, %add3A_85 : i32
        %mul3A_153 = arith.constant 64 : i32
        %mul3A_154 = arith.muli %add3A_152, %mul3A_153 : i32
        %dma_start3A_155 = arith.constant 0 : i32
        %dma_start3A_156 = tpu.memref_slice %arg8[%mul3A_154, %dma_start3A_155] : memref<204800x240xf32, #tpu.memory_space<hbm>> -> memref<64x240xf32, #tpu.memory_space<hbm>>
        %dma_start3A_157 = arith.constant 0 : i32
        %dma_start3A_158 = tpu.memref_slice %arg8[%mul3A_154, %dma_start3A_157] : memref<204800x240xf32, #tpu.memory_space<hbm>> -> memref<64x240xf32, #tpu.memory_space<hbm>>
        tpu.enqueue_dma source(%arg13 : memref<64x240xf32, #tpu.memory_space<vmem>>) target(%dma_start3A_158 : memref<64x240xf32, #tpu.memory_space<hbm>>) target_semaphore(%arg26 : memref<!tpu.dma_semaphore, #tpu.memory_space<semaphore_mem>>)
      } else {
      }
      %add3A_91 = arith.constant 3 : i32
      %add3A_92 = arith.addi %add3A_85, %add3A_91 : i32
      %lt3A_93 = arith.constant 100 : i32
      %lt3A_94 = arith.cmpi slt, %add3A_92, %lt3A_93 : i32
      %convert_element_type3A_95 = arith.extui %lt3A_94 : i1 to i32
      %cond3A_96 = arith.constant 0 : i32
      %cond3A_97 = arith.cmpi ne, %convert_element_type3A_95, %cond3A_96 : i32
      scf.if %cond3A_97 {
        %add3A_134 = arith.addi %mul3A_2, %add3A_85 : i32
        %add3A_135 = arith.constant 3 : i32
        %add3A_136 = arith.addi %add3A_134, %add3A_135 : i32
        %dma_start3A_137 = arith.constant 0 : i32
        %dma_start3A_138 = arith.constant 0 : i32
        %dma_start3A_139 = tpu.memref_slice %arg7[%add3A_136, %dma_start3A_137, %dma_start3A_138] : memref<3200x5x64xi32, #tpu.memory_space<hbm>> -> memref<1x5x64xi32, #tpu.memory_space<hbm>>
        %dma_start3A_140 = tpu.memref_squeeze %dma_start3A_139 : memref<1x5x64xi32, #tpu.memory_space<hbm>> -> memref<5x64xi32, #tpu.memory_space<hbm>>
        %dma_start3A_141 = arith.constant 0 : i32
        %dma_start3A_142 = arith.constant 0 : i32
        %dma_start3A_143 = tpu.memref_slice %arg7[%add3A_136, %dma_start3A_141, %dma_start3A_142] : memref<3200x5x64xi32, #tpu.memory_space<hbm>> -> memref<1x5x64xi32, #tpu.memory_space<hbm>>
        %dma_start3A_144 = tpu.memref_squeeze %dma_start3A_143 : memref<1x5x64xi32, #tpu.memory_space<hbm>> -> memref<5x64xi32, #tpu.memory_space<hbm>>
        tpu.enqueue_dma source(%dma_start3A_144 : memref<5x64xi32, #tpu.memory_space<hbm>>) target(%arg10 : memref<5x64xi32, #tpu.memory_space<vmem>>) target_semaphore(%arg20 : memref<!tpu.dma_semaphore, #tpu.memory_space<semaphore_mem>>)
      } else {
      }
      %add3A_98 = arith.constant 2 : i32
      %add3A_99 = arith.addi %add3A_85, %add3A_98 : i32
      %ge3A_100 = arith.constant 3 : i32
      %ge3A_101 = arith.cmpi sge, %add3A_99, %ge3A_100 : i32
      %lt3A_102 = arith.constant 100 : i32
      %lt3A_103 = arith.cmpi slt, %add3A_99, %lt3A_102 : i32
      %and3A_104 = arith.andi %ge3A_101, %lt3A_103 : i1
      %convert_element_type3A_105 = arith.extui %and3A_104 : i1 to i32
      %cond3A_106 = arith.constant 0 : i32
      %cond3A_107 = arith.cmpi ne, %convert_element_type3A_105, %cond3A_106 : i32
      scf.if %cond3A_107 {
        %dma_wait3A_134 = arith.constant 0 : i32
        %dma_wait3A_135 = arith.constant 0 : i32
        %dma_wait3A_136 = arith.constant 0 : i32
        %dma_wait3A_137 = tpu.memref_slice %arg7[%dma_wait3A_134, %dma_wait3A_135, %dma_wait3A_136] : memref<3200x5x64xi32, #tpu.memory_space<hbm>> -> memref<1x5x64xi32, #tpu.memory_space<hbm>>
        %dma_wait3A_138 = tpu.memref_squeeze %dma_wait3A_137 : memref<1x5x64xi32, #tpu.memory_space<hbm>> -> memref<5x64xi32, #tpu.memory_space<hbm>>
        %dma_wait3A_139 = arith.constant 0 : i32
        %dma_wait3A_140 = arith.constant 0 : i32
        %dma_wait3A_141 = tpu.memref_slice %arg7[%dma_wait3A_134, %dma_wait3A_139, %dma_wait3A_140] : memref<3200x5x64xi32, #tpu.memory_space<hbm>> -> memref<1x5x64xi32, #tpu.memory_space<hbm>>
        %dma_wait3A_142 = tpu.memref_squeeze %dma_wait3A_141 : memref<1x5x64xi32, #tpu.memory_space<hbm>> -> memref<5x64xi32, #tpu.memory_space<hbm>>
        tpu.wait_dma2 semaphore(%arg19 : memref<!tpu.dma_semaphore, #tpu.memory_space<semaphore_mem>>) src(%dma_wait3A_142 : memref<5x64xi32, #tpu.memory_space<hbm>>) dst(%arg9 : memref<5x64xi32, #tpu.memory_space<vmem>>)
        %dma_wait3A_143 = arith.constant 0 : i32
        %dma_wait3A_144 = arith.constant 0 : i32
        %dma_wait3A_145 = tpu.memref_slice %arg8[%dma_wait3A_143, %dma_wait3A_144] : memref<204800x240xf32, #tpu.memory_space<hbm>> -> memref<64x240xf32, #tpu.memory_space<hbm>>
        %dma_wait3A_146 = arith.constant 0 : i32
        %dma_wait3A_147 = arith.constant 0 : i32
        %dma_wait3A_148 = tpu.memref_slice %arg8[%dma_wait3A_146, %dma_wait3A_147] : memref<204800x240xf32, #tpu.memory_space<hbm>> -> memref<64x240xf32, #tpu.memory_space<hbm>>
        tpu.wait_dma2 semaphore(%arg25 : memref<!tpu.dma_semaphore, #tpu.memory_space<semaphore_mem>>) src(%arg12 : memref<64x240xf32, #tpu.memory_space<vmem>>) dst(%dma_wait3A_148 : memref<64x240xf32, #tpu.memory_space<hbm>>)
        %dma_start3A_149 = arith.constant 0 : i32
        %dma_start3A_150 = arith.constant 0 : i32
        %dma_start3A_151 = arith.constant 0 : i32
        %dma_start3A_152 = tpu.memref_slice %arg12[%dma_start3A_150, %dma_start3A_151] : memref<64x240xf32, #tpu.memory_space<vmem>> -> memref<64x128xf32, #tpu.memory_space<vmem>>
        %dma_start3A_153 = arith.constant 0 : i32
        %dma_start3A_154 = tpu.memref_slice %arg9[%dma_start3A_149, %dma_start3A_153] : memref<5x64xi32, #tpu.memory_space<vmem>> -> memref<1x64xi32, #tpu.memory_space<vmem>>
        %dma_start3A_155 = tpu.memref_squeeze %dma_start3A_154 : memref<1x64xi32, #tpu.memory_space<vmem>> -> memref<64xi32, #tpu.memory_space<vmem>>
        %dma_start3A_156 = arith.constant 0 : i32
        %dma_start3A_157 = arith.constant 0 : i32
        %dma_start3A_158 = tpu.memref_slice %arg2[%dma_start3A_156, %dma_start3A_157] : memref<100000x128xf32, #tpu.memory_space<hbm>> -> memref<100000x128xf32, #tpu.memory_space<hbm>>
        tpu.enqueue_indirect_dma source(%dma_start3A_158 : memref<100000x128xf32, #tpu.memory_space<hbm>>) target(%dma_start3A_152 : memref<64x128xf32, #tpu.memory_space<vmem>>) offsets(%dma_start3A_155 : memref<64xi32, #tpu.memory_space<vmem>>) semaphore(%arg22 : memref<!tpu.dma_semaphore, #tpu.memory_space<semaphore_mem>>)
      } else {
      }
      %mul3A_108 = arith.constant 3 : i32
      %mul3A_109 = arith.muli %scan3A_60, %mul3A_108 : i32
      %add3A_110 = arith.constant 2 : i32
      %add3A_111 = arith.addi %mul3A_109, %add3A_110 : i32
      %lt3A_112 = arith.constant 100 : i32
      %lt3A_113 = arith.cmpi slt, %add3A_111, %lt3A_112 : i32
      %convert_element_type3A_114 = arith.extui %lt3A_113 : i1 to i32
      %cond3A_115 = arith.constant 0 : i32
      %cond3A_116 = arith.cmpi ne, %convert_element_type3A_114, %cond3A_115 : i32
      scf.if %cond3A_116 {
        %dma_wait3A_134 = arith.constant 0 : i32
        %dma_wait3A_135 = arith.constant 0 : i32
        %dma_wait3A_136 = tpu.memref_slice %arg14[%dma_wait3A_134, %dma_wait3A_135] : memref<64x240xf32, #tpu.memory_space<vmem>> -> memref<64x128xf32, #tpu.memory_space<vmem>>
        %dma_wait3A_137 = arith.constant 0 : i32
        %dma_wait3A_138 = arith.constant 0 : i32
        %dma_wait3A_139 = tpu.memref_slice %arg2[%dma_wait3A_137, %dma_wait3A_138] : memref<100000x128xf32, #tpu.memory_space<hbm>> -> memref<64x128xf32, #tpu.memory_space<hbm>>
        %dma_wait3A_140 = arith.constant 0 : i32
        %dma_wait3A_141 = arith.constant 0 : i32
        %dma_wait3A_142 = tpu.memref_slice %arg14[%dma_wait3A_140, %dma_wait3A_141] : memref<64x240xf32, #tpu.memory_space<vmem>> -> memref<64x128xf32, #tpu.memory_space<vmem>>
        %dma_wait3A_143 = arith.constant 0 : i32
        %dma_wait3A_144 = arith.constant 0 : i32
        %dma_wait3A_145 = tpu.memref_slice %arg2[%dma_wait3A_143, %dma_wait3A_144] : memref<100000x128xf32, #tpu.memory_space<hbm>> -> memref<64x128xf32, #tpu.memory_space<hbm>>
        tpu.wait_dma2 semaphore(%arg24 : memref<!tpu.dma_semaphore, #tpu.memory_space<semaphore_mem>>) src(%dma_wait3A_145 : memref<64x128xf32, #tpu.memory_space<hbm>>) dst(%dma_wait3A_142 : memref<64x128xf32, #tpu.memory_space<vmem>>)
        %scan3A_146 = arith.constant 0 : i32
        %scan3A_147 = arith.constant 0 : i32
        %scan3A_148 = arith.constant 4 : i32
        %scan3A_149 = arith.addi %scan3A_147, %scan3A_148 : i32
        %scan3A_150 = arith.constant 1 : i32
        scf.for %scan3A_159 = %scan3A_147 to %scan3A_149 step %scan3A_150  : i32 {
          %mul3A_160 = arith.constant 16 : i32
          %mul3A_161 = arith.muli %scan3A_159, %mul3A_160 : i32
          %add3A_162 = vector.broadcast %mul3A_161 : i32 to vector<16xi32>
          %add3A_163 = arith.addi %add3A_162, %iota3A : vector<16xi32>
          %mul3A_164 = arith.constant 16 : i32
          %mul3A_165 = arith.muli %scan3A_159, %mul3A_164 : i32
          %broadcast_in_dim3A = arith.constant 0 : i32
          %broadcast_in_dim3A_166 = vector.broadcast %broadcast_in_dim3A : i32 to vector<16xi32>
          %get3A = arith.constant 1 : i32
          %get3A_167 = arith.index_cast %get3A : i32 to index
          %get3A_168 = arith.index_cast %mul3A_165 : i32 to index
          %get3A_169 = tpu.vector_load %arg11[%get3A_167, %get3A_168] {strides = array<i32>} : memref<5x64xi32, #tpu.memory_space<vmem>>, vector<16xi32>,
          %mul3A_170 = arith.constant 16 : i32
          %mul3A_171 = vector.broadcast %mul3A_170 : i32 to vector<16xi32>
          %mul3A_172 = arith.muli %get3A_169, %mul3A_171 : vector<16xi32>
          %get3A_173 = arith.constant 2 : i32
          %get3A_174 = arith.index_cast %get3A_173 : i32 to index
          %get3A_175 = arith.index_cast %mul3A_165 : i32 to index
          %get3A_176 = tpu.vector_load %arg11[%get3A_174, %get3A_175] {strides = array<i32>} : memref<5x64xi32, #tpu.memory_space<vmem>>, vector<16xi32>,
          %shift_right_arithmetic3A = arith.constant 2 : i32
          %shift_right_arithmetic3A_177 = vector.broadcast %shift_right_arithmetic3A : i32 to vector<16xi32>
          %shift_right_arithmetic3A_178 = arith.shrsi %get3A_176, %shift_right_arithmetic3A_177 : vector<16xi32>
          %and3A_179 = arith.constant 3 : i32
          %and3A_180 = vector.broadcast %and3A_179 : i32 to vector<16xi32>
          %and3A_181 = arith.andi %get3A_176, %and3A_180 : vector<16xi32>
          %mul3A_182 = arith.constant 32 : i32
          %mul3A_183 = vector.broadcast %mul3A_182 : i32 to vector<16xi32>
          %mul3A_184 = arith.muli %and3A_181, %mul3A_183 : vector<16xi32>
          %get3A_185 = arith.constant 3 : i32
          %get3A_186 = arith.index_cast %get3A_185 : i32 to index
          %get3A_187 = arith.index_cast %mul3A_165 : i32 to index
          %get3A_188 = tpu.vector_load %arg11[%get3A_186, %get3A_187] {strides = array<i32>} : memref<5x64xi32, #tpu.memory_space<vmem>>, vector<16xi32>,
          %shift_right_arithmetic3A_189 = arith.constant 2 : i32
          %shift_right_arithmetic3A_190 = vector.broadcast %shift_right_arithmetic3A_189 : i32 to vector<16xi32>
          %shift_right_arithmetic3A_191 = arith.shrsi %get3A_188, %shift_right_arithmetic3A_190 : vector<16xi32>
          %and3A_192 = arith.constant 3 : i32
          %and3A_193 = vector.broadcast %and3A_192 : i32 to vector<16xi32>
          %and3A_194 = arith.andi %get3A_188, %and3A_193 : vector<16xi32>
          %mul3A_195 = arith.constant 32 : i32
          %mul3A_196 = vector.broadcast %mul3A_195 : i32 to vector<16xi32>
          %mul3A_197 = arith.muli %and3A_194, %mul3A_196 : vector<16xi32>
          %get3A_198 = arith.constant 4 : i32
          %get3A_199 = arith.index_cast %get3A_198 : i32 to index
          %get3A_200 = arith.index_cast %mul3A_165 : i32 to index
          %get3A_201 = tpu.vector_load %arg11[%get3A_199, %get3A_200] {strides = array<i32>} : memref<5x64xi32, #tpu.memory_space<vmem>>, vector<16xi32>,
          %shift_right_arithmetic3A_202 = arith.constant 2 : i32
          %shift_right_arithmetic3A_203 = vector.broadcast %shift_right_arithmetic3A_202 : i32 to vector<16xi32>
          %shift_right_arithmetic3A_204 = arith.shrsi %get3A_201, %shift_right_arithmetic3A_203 : vector<16xi32>
          %and3A_205 = arith.constant 3 : i32
          %and3A_206 = vector.broadcast %and3A_205 : i32 to vector<16xi32>
          %and3A_207 = arith.andi %get3A_201, %and3A_206 : vector<16xi32>
          %mul3A_208 = arith.constant 32 : i32
          %mul3A_209 = vector.broadcast %mul3A_208 : i32 to vector<16xi32>
          %mul3A_210 = arith.muli %and3A_207, %mul3A_209 : vector<16xi32>
          %add3A_211 = arith.constant 16 : i32
          %add3A_212 = vector.broadcast %add3A_211 : i32 to vector<16xi32>
          %add3A_213 = arith.addi %mul3A_184, %add3A_212 : vector<16xi32>
          %add3A_214 = arith.constant 16 : i32
          %add3A_215 = vector.broadcast %add3A_214 : i32 to vector<16xi32>
          %add3A_216 = arith.addi %mul3A_197, %add3A_215 : vector<16xi32>
          %add3A_217 = arith.constant 16 : i32
          %add3A_218 = vector.broadcast %add3A_217 : i32 to vector<16xi32>
          %add3A_219 = arith.addi %mul3A_210, %add3A_218 : vector<16xi32>
          %scan3A_220 = arith.constant 0 : i32
          %scan3A_221 = arith.constant 0 : i32
          %scan3A_222 = arith.constant 16 : i32
          %scan3A_223 = arith.addi %scan3A_221, %scan3A_222 : i32
          %scan3A_224 = arith.constant 1 : i32
          scf.for %scan3A_226 = %scan3A_221 to %scan3A_223 step %scan3A_224  : i32 {
            %add3A_227 = vector.broadcast %scan3A_226 : i32 to vector<16xi32>
            %add3A_228 = arith.addi %iota3A, %add3A_227 : vector<16xi32>
            %and3A_229 = arith.constant 15 : i32
            %and3A_230 = vector.broadcast %and3A_229 : i32 to vector<16xi32>
            %and3A_231 = arith.andi %add3A_228, %and3A_230 : vector<16xi32>
            %add3A_232 = arith.addi %mul3A_172, %and3A_231 : vector<16xi32>
            %gather3A = tpu.vector_load_idx %arg15[%broadcast_in_dim3A_166, %add3A_232] : memref<1x128xf32, #tpu.memory_space<vmem>>[vector<16xi32>, vector<16xi32>], vector<16xf32>,
            %add3A_233 = arith.constant 128 : i32
            %add3A_234 = vector.broadcast %add3A_233 : i32 to vector<16xi32>
            %add3A_235 = arith.addi %and3A_231, %add3A_234 : vector<16xi32>
            tpu.vector_store_idx %arg14[%add3A_163, %add3A_235], %gather3A : memref<64x240xf32, #tpu.memory_space<vmem>>[vector<16xi32>, vector<16xi32>], vector<16xf32>,
            %add3A_236 = arith.addi %mul3A_184, %and3A_231 : vector<16xi32>
            %gather3A_237 = tpu.vector_load_idx %arg16[%shift_right_arithmetic3A_178, %add3A_236] : memref<16x128xf32, #tpu.memory_space<vmem>>[vector<16xi32>, vector<16xi32>], vector<16xf32>,
            %add3A_238 = arith.constant 144 : i32
            %add3A_239 = vector.broadcast %add3A_238 : i32 to vector<16xi32>
            %add3A_240 = arith.addi %and3A_231, %add3A_239 : vector<16xi32>
            tpu.vector_store_idx %arg14[%add3A_163, %add3A_240], %gather3A_237 : memref<64x240xf32, #tpu.memory_space<vmem>>[vector<16xi32>, vector<16xi32>], vector<16xf32>,
            %add3A_241 = arith.addi %add3A_213, %and3A_231 : vector<16xi32>
            %gather3A_242 = tpu.vector_load_idx %arg16[%shift_right_arithmetic3A_178, %add3A_241] : memref<16x128xf32, #tpu.memory_space<vmem>>[vector<16xi32>, vector<16xi32>], vector<16xf32>,
            %add3A_243 = arith.constant 160 : i32
            %add3A_244 = vector.broadcast %add3A_243 : i32 to vector<16xi32>
            %add3A_245 = arith.addi %and3A_231, %add3A_244 : vector<16xi32>
            tpu.vector_store_idx %arg14[%add3A_163, %add3A_245], %gather3A_242 : memref<64x240xf32, #tpu.memory_space<vmem>>[vector<16xi32>, vector<16xi32>], vector<16xf32>,
            %add3A_246 = arith.addi %mul3A_197, %and3A_231 : vector<16xi32>
            %gather3A_247 = tpu.vector_load_idx %arg17[%shift_right_arithmetic3A_191, %add3A_246] : memref<250x128xf32, #tpu.memory_space<vmem>>[vector<16xi32>, vector<16xi32>], vector<16xf32>,
            %add3A_248 = arith.constant 176 : i32
            %add3A_249 = vector.broadcast %add3A_248 : i32 to vector<16xi32>
            %add3A_250 = arith.addi %and3A_231, %add3A_249 : vector<16xi32>
            tpu.vector_store_idx %arg14[%add3A_163, %add3A_250], %gather3A_247 : memref<64x240xf32, #tpu.memory_space<vmem>>[vector<16xi32>, vector<16xi32>], vector<16xf32>,
            %add3A_251 = arith.addi %add3A_216, %and3A_231 : vector<16xi32>
            %gather3A_252 = tpu.vector_load_idx %arg17[%shift_right_arithmetic3A_191, %add3A_251] : memref<250x128xf32, #tpu.memory_space<vmem>>[vector<16xi32>, vector<16xi32>], vector<16xf32>,
            %add3A_253 = arith.constant 192 : i32
            %add3A_254 = vector.broadcast %add3A_253 : i32 to vector<16xi32>
            %add3A_255 = arith.addi %and3A_231, %add3A_254 : vector<16xi32>
            tpu.vector_store_idx %arg14[%add3A_163, %add3A_255], %gather3A_252 : memref<64x240xf32, #tpu.memory_space<vmem>>[vector<16xi32>, vector<16xi32>], vector<16xf32>,
            %add3A_256 = arith.addi %mul3A_210, %and3A_231 : vector<16xi32>
            %gather3A_257 = tpu.vector_load_idx %arg18[%shift_right_arithmetic3A_204, %add3A_256] : memref<250x128xf32, #tpu.memory_space<vmem>>[vector<16xi32>, vector<16xi32>], vector<16xf32>,
            %add3A_258 = arith.constant 208 : i32
            %add3A_259 = vector.broadcast %add3A_258 : i32 to vector<16xi32>
            %add3A_260 = arith.addi %and3A_231, %add3A_259 : vector<16xi32>
            tpu.vector_store_idx %arg14[%add3A_163, %add3A_260], %gather3A_257 : memref<64x240xf32, #tpu.memory_space<vmem>>[vector<16xi32>, vector<16xi32>], vector<16xf32>,
            %add3A_261 = arith.addi %add3A_219, %and3A_231 : vector<16xi32>
            %gather3A_262 = tpu.vector_load_idx %arg18[%shift_right_arithmetic3A_204, %add3A_261] : memref<250x128xf32, #tpu.memory_space<vmem>>[vector<16xi32>, vector<16xi32>], vector<16xf32>,
            %add3A_263 = arith.constant 224 : i32
            %add3A_264 = vector.broadcast %add3A_263 : i32 to vector<16xi32>
            %add3A_265 = arith.addi %and3A_231, %add3A_264 : vector<16xi32>
            tpu.vector_store_idx %arg14[%add3A_163, %add3A_265], %gather3A_262 : memref<64x240xf32, #tpu.memory_space<vmem>>[vector<16xi32>, vector<16xi32>], vector<16xf32>,
          }
          %scan3A_225 = arith.constant 16 : i32
        }
        %scan3A_151 = arith.constant 4 : i32
        %add3A_152 = arith.addi %mul3A_2, %add3A_111 : i32
        %mul3A_153 = arith.constant 64 : i32
        %mul3A_154 = arith.muli %add3A_152, %mul3A_153 : i32
        %dma_start3A_155 = arith.constant 0 : i32
        %dma_start3A_156 = tpu.memref_slice %arg8[%mul3A_154, %dma_start3A_155] : memref<204800x240xf32, #tpu.memory_space<hbm>> -> memref<64x240xf32, #tpu.memory_space<hbm>>
        %dma_start3A_157 = arith.constant 0 : i32
        %dma_start3A_158 = tpu.memref_slice %arg8[%mul3A_154, %dma_start3A_157] : memref<204800x240xf32, #tpu.memory_space<hbm>> -> memref<64x240xf32, #tpu.memory_space<hbm>>
        tpu.enqueue_dma source(%arg14 : memref<64x240xf32, #tpu.memory_space<vmem>>) target(%dma_start3A_158 : memref<64x240xf32, #tpu.memory_space<hbm>>) target_semaphore(%arg27 : memref<!tpu.dma_semaphore, #tpu.memory_space<semaphore_mem>>)
      } else {
      }
      %add3A_117 = arith.constant 3 : i32
      %add3A_118 = arith.addi %add3A_111, %add3A_117 : i32
      %lt3A_119 = arith.constant 100 : i32
      %lt3A_120 = arith.cmpi slt, %add3A_118, %lt3A_119 : i32
      %convert_element_type3A_121 = arith.extui %lt3A_120 : i1 to i32
      %cond3A_122 = arith.constant 0 : i32
      %cond3A_123 = arith.cmpi ne, %convert_element_type3A_121, %cond3A_122 : i32
      scf.if %cond3A_123 {
        %add3A_134 = arith.addi %mul3A_2, %add3A_111 : i32
        %add3A_135 = arith.constant 3 : i32
        %add3A_136 = arith.addi %add3A_134, %add3A_135 : i32
        %dma_start3A_137 = arith.constant 0 : i32
        %dma_start3A_138 = arith.constant 0 : i32
        %dma_start3A_139 = tpu.memref_slice %arg7[%add3A_136, %dma_start3A_137, %dma_start3A_138] : memref<3200x5x64xi32, #tpu.memory_space<hbm>> -> memref<1x5x64xi32, #tpu.memory_space<hbm>>
        %dma_start3A_140 = tpu.memref_squeeze %dma_start3A_139 : memref<1x5x64xi32, #tpu.memory_space<hbm>> -> memref<5x64xi32, #tpu.memory_space<hbm>>
        %dma_start3A_141 = arith.constant 0 : i32
        %dma_start3A_142 = arith.constant 0 : i32
        %dma_start3A_143 = tpu.memref_slice %arg7[%add3A_136, %dma_start3A_141, %dma_start3A_142] : memref<3200x5x64xi32, #tpu.memory_space<hbm>> -> memref<1x5x64xi32, #tpu.memory_space<hbm>>
        %dma_start3A_144 = tpu.memref_squeeze %dma_start3A_143 : memref<1x5x64xi32, #tpu.memory_space<hbm>> -> memref<5x64xi32, #tpu.memory_space<hbm>>
        tpu.enqueue_dma source(%dma_start3A_144 : memref<5x64xi32, #tpu.memory_space<hbm>>) target(%arg11 : memref<5x64xi32, #tpu.memory_space<vmem>>) target_semaphore(%arg21 : memref<!tpu.dma_semaphore, #tpu.memory_space<semaphore_mem>>)
      } else {
      }
      %add3A_124 = arith.constant 2 : i32
      %add3A_125 = arith.addi %add3A_111, %add3A_124 : i32
      %ge3A_126 = arith.constant 3 : i32
      %ge3A_127 = arith.cmpi sge, %add3A_125, %ge3A_126 : i32
      %lt3A_128 = arith.constant 100 : i32
      %lt3A_129 = arith.cmpi slt, %add3A_125, %lt3A_128 : i32
      %and3A_130 = arith.andi %ge3A_127, %lt3A_129 : i1
      %convert_element_type3A_131 = arith.extui %and3A_130 : i1 to i32
      %cond3A_132 = arith.constant 0 : i32
      %cond3A_133 = arith.cmpi ne, %convert_element_type3A_131, %cond3A_132 : i32
      scf.if %cond3A_133 {
        %dma_wait3A_134 = arith.constant 0 : i32
        %dma_wait3A_135 = arith.constant 0 : i32
        %dma_wait3A_136 = arith.constant 0 : i32
        %dma_wait3A_137 = tpu.memref_slice %arg7[%dma_wait3A_134, %dma_wait3A_135, %dma_wait3A_136] : memref<3200x5x64xi32, #tpu.memory_space<hbm>> -> memref<1x5x64xi32, #tpu.memory_space<hbm>>
        %dma_wait3A_138 = tpu.memref_squeeze %dma_wait3A_137 : memref<1x5x64xi32, #tpu.memory_space<hbm>> -> memref<5x64xi32, #tpu.memory_space<hbm>>
        %dma_wait3A_139 = arith.constant 0 : i32
        %dma_wait3A_140 = arith.constant 0 : i32
        %dma_wait3A_141 = tpu.memref_slice %arg7[%dma_wait3A_134, %dma_wait3A_139, %dma_wait3A_140] : memref<3200x5x64xi32, #tpu.memory_space<hbm>> -> memref<1x5x64xi32, #tpu.memory_space<hbm>>
        %dma_wait3A_142 = tpu.memref_squeeze %dma_wait3A_141 : memref<1x5x64xi32, #tpu.memory_space<hbm>> -> memref<5x64xi32, #tpu.memory_space<hbm>>
        tpu.wait_dma2 semaphore(%arg20 : memref<!tpu.dma_semaphore, #tpu.memory_space<semaphore_mem>>) src(%dma_wait3A_142 : memref<5x64xi32, #tpu.memory_space<hbm>>) dst(%arg10 : memref<5x64xi32, #tpu.memory_space<vmem>>)
        %dma_wait3A_143 = arith.constant 0 : i32
        %dma_wait3A_144 = arith.constant 0 : i32
        %dma_wait3A_145 = tpu.memref_slice %arg8[%dma_wait3A_143, %dma_wait3A_144] : memref<204800x240xf32, #tpu.memory_space<hbm>> -> memref<64x240xf32, #tpu.memory_space<hbm>>
        %dma_wait3A_146 = arith.constant 0 : i32
        %dma_wait3A_147 = arith.constant 0 : i32
        %dma_wait3A_148 = tpu.memref_slice %arg8[%dma_wait3A_146, %dma_wait3A_147] : memref<204800x240xf32, #tpu.memory_space<hbm>> -> memref<64x240xf32, #tpu.memory_space<hbm>>
        tpu.wait_dma2 semaphore(%arg26 : memref<!tpu.dma_semaphore, #tpu.memory_space<semaphore_mem>>) src(%arg13 : memref<64x240xf32, #tpu.memory_space<vmem>>) dst(%dma_wait3A_148 : memref<64x240xf32, #tpu.memory_space<hbm>>)
        %dma_start3A_149 = arith.constant 0 : i32
        %dma_start3A_150 = arith.constant 0 : i32
        %dma_start3A_151 = arith.constant 0 : i32
        %dma_start3A_152 = tpu.memref_slice %arg13[%dma_start3A_150, %dma_start3A_151] : memref<64x240xf32, #tpu.memory_space<vmem>> -> memref<64x128xf32, #tpu.memory_space<vmem>>
        %dma_start3A_153 = arith.constant 0 : i32
        %dma_start3A_154 = tpu.memref_slice %arg10[%dma_start3A_149, %dma_start3A_153] : memref<5x64xi32, #tpu.memory_space<vmem>> -> memref<1x64xi32, #tpu.memory_space<vmem>>
        %dma_start3A_155 = tpu.memref_squeeze %dma_start3A_154 : memref<1x64xi32, #tpu.memory_space<vmem>> -> memref<64xi32, #tpu.memory_space<vmem>>
        %dma_start3A_156 = arith.constant 0 : i32
        %dma_start3A_157 = arith.constant 0 : i32
        %dma_start3A_158 = tpu.memref_slice %arg2[%dma_start3A_156, %dma_start3A_157] : memref<100000x128xf32, #tpu.memory_space<hbm>> -> memref<100000x128xf32, #tpu.memory_space<hbm>>
        tpu.enqueue_indirect_dma source(%dma_start3A_158 : memref<100000x128xf32, #tpu.memory_space<hbm>>) target(%dma_start3A_152 : memref<64x128xf32, #tpu.memory_space<vmem>>) offsets(%dma_start3A_155 : memref<64xi32, #tpu.memory_space<vmem>>) semaphore(%arg23 : memref<!tpu.dma_semaphore, #tpu.memory_space<semaphore_mem>>)
      } else {
      }
    }
    %scan3A_42 = arith.constant 34 : i32
    %dma_wait3A = arith.constant 0 : i32
    %dma_wait3A_43 = arith.constant 0 : i32
    %dma_wait3A_44 = tpu.memref_slice %arg8[%dma_wait3A, %dma_wait3A_43] : memref<204800x240xf32, #tpu.memory_space<hbm>> -> memref<64x240xf32, #tpu.memory_space<hbm>>
    %dma_wait3A_45 = arith.constant 0 : i32
    %dma_wait3A_46 = arith.constant 0 : i32
    %dma_wait3A_47 = tpu.memref_slice %arg8[%dma_wait3A_45, %dma_wait3A_46] : memref<204800x240xf32, #tpu.memory_space<hbm>> -> memref<64x240xf32, #tpu.memory_space<hbm>>
    tpu.wait_dma2 semaphore(%arg25 : memref<!tpu.dma_semaphore, #tpu.memory_space<semaphore_mem>>) src(%arg12 : memref<64x240xf32, #tpu.memory_space<vmem>>) dst(%dma_wait3A_47 : memref<64x240xf32, #tpu.memory_space<hbm>>)
    %dma_wait3A_48 = arith.constant 0 : i32
    %dma_wait3A_49 = arith.constant 0 : i32
    %dma_wait3A_50 = tpu.memref_slice %arg8[%dma_wait3A_48, %dma_wait3A_49] : memref<204800x240xf32, #tpu.memory_space<hbm>> -> memref<64x240xf32, #tpu.memory_space<hbm>>
    %dma_wait3A_51 = arith.constant 0 : i32
    %dma_wait3A_52 = arith.constant 0 : i32
    %dma_wait3A_53 = tpu.memref_slice %arg8[%dma_wait3A_51, %dma_wait3A_52] : memref<204800x240xf32, #tpu.memory_space<hbm>> -> memref<64x240xf32, #tpu.memory_space<hbm>>
    tpu.wait_dma2 semaphore(%arg26 : memref<!tpu.dma_semaphore, #tpu.memory_space<semaphore_mem>>) src(%arg13 : memref<64x240xf32, #tpu.memory_space<vmem>>) dst(%dma_wait3A_53 : memref<64x240xf32, #tpu.memory_space<hbm>>)
    %dma_wait3A_54 = arith.constant 0 : i32
    %dma_wait3A_55 = arith.constant 0 : i32
    %dma_wait3A_56 = tpu.memref_slice %arg8[%dma_wait3A_54, %dma_wait3A_55] : memref<204800x240xf32, #tpu.memory_space<hbm>> -> memref<64x240xf32, #tpu.memory_space<hbm>>
    %dma_wait3A_57 = arith.constant 0 : i32
    %dma_wait3A_58 = arith.constant 0 : i32
    %dma_wait3A_59 = tpu.memref_slice %arg8[%dma_wait3A_57, %dma_wait3A_58] : memref<204800x240xf32, #tpu.memory_space<hbm>> -> memref<64x240xf32, #tpu.memory_space<hbm>>
    tpu.wait_dma2 semaphore(%arg27 : memref<!tpu.dma_semaphore, #tpu.memory_space<semaphore_mem>>) src(%arg14 : memref<64x240xf32, #tpu.memory_space<vmem>>) dst(%dma_wait3A_59 : memref<64x240xf32, #tpu.memory_space<hbm>>)
    return
  }
}

</mosaic_0001>

<sc_bundles>
// kernel: kernel.3.cloned.1.call-start
scs
__scs_entry_jumppad:
0x0: {  	(pc) =	sbr.rel $0x88, $3  }
0x1: {  	(tag) =	ssettag $0x0;
	lr =	simm.s32 $0x1  }
0x2: {  	[smem:$0x3F97] =	sst lr;
	_ =	strace $0xD0000000  }
0x3: {  	_ = 	snop  }
0x4: {  	_ = 	snop  }
0x5: {  	_ = 	snop  }
0x6: {  	_ = 	snop  }
0x7: {  	_ = 	snop  }
__scs_overlays_trampoline_lowered:
0x8: {  	[smem:$0x3FA6] =	sst s0  }
0x9: {  	[smem:$0x3FA7] =	sst s1  }
0xa: {  	[smem:$0x3FA8] =	sst s2  }
0xb: {  	[smem:$0x3FA9] =	sst s3  }
0xc: {  	[smem:$0x3FAA] =	sst s4  }
0xd: {  	[smem:$0x3FAB] =	sst s5  }
0xe: {  	[smem:$0x3FAC] =	sst s6  }
0xf: {  	[smem:$0x3FAD] =	sst s7  }
0x10: {  	[smem:$0x3FAE] =	sst s8  }
0x11: {  	[smem:$0x3FAF] =	sst s9;
	s0 =	simm.s32 @!p0 $0x0  }
0x12: {  	s1 =	sld [smem:$0x3F95];
	s0 =	simm.s32 @p0 $0x1  }
0x13: {  	[smem:$0x3FB0] =	sst s0;
	s0 =	simm.s32 @!p1 $0x0  }
0x14: {  	s2 =	sld [smem:$0x3F94];
	s0 =	simm.s32 @p1 $0x1  }
0x15: {  	[smem:$0x3FB1] =	sst s0;
	s0 =	simm.s32 @!p2 $0x0  }
0x16: {  	s3 =	sld [smem:$0x3FDB];
	s0 =	simm.s32 @p2 $0x1  }
0x17: {  	s4 =	simm.s32 $0x1BF5;
	[smem:$0x3FB3] =	sst s0  }
0x18: {  	s0 =	sld [smem:$0x3F96];
	_ =	swait.ge [sflag:s4], $0x0  }
0x19: {  	s7 =	sld [smem:$0x3F97]  }
0x1a: {  	s8 =	sadd.s32 $0xFFFFE003, lr  }
0x1b: {  	s9 =	sadd.s32 $0xFFFFFEF7, lr;
	s5 =	simm.s32 $0xFFFFFFFF;
	p2 =	slt.u32 s8, $0xFFFFF086  }
0x1c: {  	p1 =	slt.u32 s9, $0xF7A;
	s5 =	simm.s32 @!p2 $0x0  }
0x1d: {  	s5 =	simm.s32 @p1 $0x1;
	p0 =	seq.s32 s7, s2  }
0x1e: {  	s7 =	smul.u32 @!p0 $0xF7A, s2;
	p2 =	seq.s32 @!p0 s5, $0x0  }
0x1f: {  	s9 =	smul.u32 $0xF7A, s1;
	s8 =	simm.s32 @!p0 $0x1BF5;
	p2 =	por !p2, p0  }
0x20: {  	[sflag:s8] =	ssyncset.s32 @!p0 $0xFFFFF086;
	s6 =	sadd.s32 @!p0 s3, s7;
	s7 =	simm.s32 @!p0 $0x108  }
0x21: {  	s3 =	sadd.s32 s3, s9;
	s6 =	sadd.s32 @!p0 $0x88, s6;
	s7 =	simm.s32 @p2 $0x1082  }
0x22: {  	[simem:s7], [sflag:s8] =	dma.local @!p0 [hbm:s6], $0xF7A  }
0x23: {  	s9 =	sor.u32 $0xD0000000, s2;
	s6 =	simm.s32 $0x108;
	_ =	swait.ge @!p0 [sflag:s8], $0x0  }
0x24: {  	s3 =	sadd.s32 $0x88, s3;
	s6 =	simm.s32 @!p1 $0x1082;
	[sflag:s4] =	ssyncset.s32 $0xFFFFF086  }
0x25: {  	[simem:s6], [sflag:s4] =	dma.local [hbm:s3], $0xF7A  }
0x26: {  	[smem:$0x3F97] =	sst s1;
	(tag) =	ssettag s2;
	_ =	strace s9  }
0x27: {  	s1 =	sld [smem:$0x3FA7]  }
0x28: {  	s2 =	sld [smem:$0x3FA8]  }
0x29: {  	s4 =	sld [smem:$0x3FAA]  }
0x2a: {  	p0 =	seq.s32 s5, $0x0;
	s5 =	sld [smem:$0x3FAB]  }
0x2b: {  	s6 =	sld [smem:$0x3FAC]  }
0x2c: {  	s7 =	sld [smem:$0x3FAD]  }
0x2d: {  	s3 =	simm.s32 $0x108;
	s8 =	sld [smem:$0x3FAE]  }
0x2e: {  	s3 =	simm.s32 @!p0 $0x1082;
	s9 =	sld [smem:$0x3FAF]  }
0x2f: {  	lr =	sadd.s32 s0, s3;
	s0 =	sld [smem:$0x3FA6]  }
0x30: {  	s3 =	sld [smem:$0x3FA9]  }
0x31: {  	[smem:$0x3FB2] =	sst s10  }
0x32: {  	s10 =	sld [smem:$0x3FB0];
	_ =	sdelay $0x3  }
0x33: {  	p0 =	seq.s32 s10, $0x1;
	s10 =	sld [smem:$0x3FB2];
	_ =	sdelay $0x3  }
0x34: {  	[smem:$0x3FB2] =	sst s10  }
0x35: {  	s10 =	sld [smem:$0x3FB1];
	_ =	sdelay $0x3  }
0x36: {  	p1 =	seq.s32 s10, $0x1;
	s10 =	sld [smem:$0x3FB2];
	_ =	sdelay $0x3  }
0x37: {  	[smem:$0x3FB2] =	sst s10  }
0x38: {  	s10 =	sld [smem:$0x3FB3]  }
0x39: {  	_ = 	snop;
	(pc) =	sbr.ind lr, $3  }
0x3a: {  	_ = 	snop  }
0x3b: {  	_ = 	snop  }
0x3c: {  	p2 =	seq.s32 s10, $0x1;
	s10 =	sld [smem:$0x3FB2]  }
0x3d: {  	_ =	shalt  }
0x3e: {  	_ =	shalt  }
0x3f: {  	_ =	shalt  }
0x40: {  	_ =	shalt  }
0x41: {  	_ =	shalt  }
0x42: {  	_ =	shalt  }
0x43: {  	_ =	shalt  }
0x44: {  	_ =	shalt  }
0x45: {  	_ =	shalt  }
0x46: {  	_ =	shalt  }
0x47: {  	_ =	shalt  }
0x48: {  	_ =	shalt  }
0x49: {  	_ =	shalt  }
0x4a: {  	_ =	shalt  }
0x4b: {  	_ =	shalt  }
0x4c: {  	_ =	shalt  }
0x4d: {  	_ =	shalt  }
0x4e: {  	_ =	shalt  }
0x4f: {  	_ =	shalt  }
0x50: {  	_ =	shalt  }
0x51: {  	_ =	shalt  }
0x52: {  	_ =	shalt  }
0x53: {  	_ =	shalt  }
0x54: {  	_ =	shalt  }
0x55: {  	_ =	shalt  }
0x56: {  	_ =	shalt  }
0x57: {  	_ =	shalt  }
0x58: {  	_ =	shalt  }
0x59: {  	_ =	shalt  }
0x5a: {  	_ =	shalt  }
0x5b: {  	_ =	shalt  }
0x5c: {  	_ =	shalt  }
0x5d: {  	_ =	shalt  }
0x5e: {  	_ =	shalt  }
0x5f: {  	_ =	shalt  }
0x60: {  	_ =	shalt  }
0x61: {  	_ =	shalt  }
0x62: {  	_ =	shalt  }
0x63: {  	_ =	shalt  }
0x64: {  	_ =	shalt  }
0x65: {  	_ =	shalt  }
0x66: {  	_ =	shalt  }
0x67: {  	_ =	shalt  }
0x68: {  	_ =	shalt  }
0x69: {  	_ =	shalt  }
0x6a: {  	_ =	shalt  }
0x6b: {  	_ =	shalt  }
0x6c: {  	_ =	shalt  }
0x6d: {  	_ =	shalt  }
0x6e: {  	_ =	shalt  }
0x6f: {  	_ =	shalt  }
0x70: {  	_ =	shalt  }
0x71: {  	_ =	shalt  }
0x72: {  	_ =	shalt  }
0x73: {  	_ =	shalt  }
0x74: {  	_ =	shalt  }
0x75: {  	_ =	shalt  }
0x76: {  	_ =	shalt  }
0x77: {  	_ =	shalt  }
0x78: {  	_ =	shalt  }
0x79: {  	_ =	shalt  }
0x7a: {  	_ =	shalt  }
0x7b: {  	_ =	shalt  }
0x7c: {  	_ =	shalt  }
0x7d: {  	_ =	shalt  }
0x7e: {  	_ =	shalt  }
0x7f: {  	_ =	shalt  }
0x80: {  	_ =	shalt  }
0x81: {  	_ =	shalt  }
0x82: {  	_ =	shalt  }
0x83: {  	_ =	shalt  }
0x84: {  	_ =	shalt  }
0x85: {  	_ =	shalt  }
0x86: {  	_ =	shalt  }
0x87: {  	_ =	shalt  }
.Lfunc_end0:
.L_simem_size_0:
called_computation.1_lowered:
.L_overlay_start_0:
0x88: {  	s2 =	sld [smem:$0x3FD9]  }
0x89: {  	s3 =	sld [smem:$0x3FFE];
	_ =	sdelay $0x1  }
0x8a: {  	s1 =	srdreg.scid  }
0x8b: {  	s0 =	sand.u32 $0x1, s1  }
0x8c: {  	s17 =	sshll.u32 s0, $0xA;
	s2 =	sadd.s32 s3, s2  }
0x8d: {  	s2 =	sadd.s32 s2, s17  }
0x8e: {  	[smem:$0x3FBE] =	sst s2  }
0x8f: {  	_ = 	snop  }
0x90: {  	s2 =	sld [smem:$0x3FC9]  }
0x91: {  	s18 =	sld [smem:$0x3FD0];
	(tm) =	ssettm $0x1  }
0x92: {  	s4 =	sld [smem:$0x3FFB];
	_ =	sdelay $0x3  }
0x93: {  	_ =	strace s4  }
0x94: {  	s4 =	sld [smem:$0x3FFC];
	_ =	sdelay $0x3  }
0x95: {  	_ =	strace s4  }
0x96: {  	s4 =	sld [smem:$0x3FFD];
	_ =	sdelay $0x3  }
0x97: {  	_ =	strace s4  }
0x98: {  	_ =	strace $0x8FFFFFFF  }
0x99: {  	s19 =	sld [smem:$0x3FDB];
	_ =	sdelay $0x1  }
0x9a: {  	s5 =	simm.s32 $_scs_section_size  }
0x9b: {  	s6 =	simm.s32 $_size__tile_overlayer_lowered;
	s7 =	simm.s32 $_tile_overlayer_lowered  }
0x9c: {  	s22 =	simm.s32 $0x1BFF;
	s21 =	sshll.u32 s7, $0x1;
	s4 =	sadd.s32 s5, s19  }
0x9d: {  	s8 =	simm.s32 $0x0;
	s20 =	sshll.u32 s6, $0x1;
	s6 =	sadd.s32 s21, s4  }
0x9e: {  	[timem:s8], [sflag:s22] =	dma.local [hbm:s6], s20  }
0x9f: {  	_ =	swait.ge [sflag:s22], s20  }
0xa0: {  	s5 =	ssub.s32 $0x0, s20;
	[sflag:s22] =	ssyncset.done $0x0  }
0xa1: {  	[sflag:s22] =	ssyncadd.s32 s5;
	_ =	sdelay $0x1  }
0xa2: {  	s23 =	simm.s32 $0x1B8B  }
0xa3: {  	_ =	swait.ge [sflag:s23], $0x1  }
0xa4: {  	[sflag:s23] =	ssyncset.done $0x0  }
0xa5: {  	s25 =	simm.s32 $0x1B8E;
	s24 =	sld [smem:$0x3FFE];
	[sflag:s23] =	ssyncadd.s32 $0xFFFFFFFF  }
0xa6: {  	s26 =	simm.s32 $execute0_lowered;
	[smem:$0x3FD2] =	sst s25  }
0xa7: {  	s6 =	sshll.u32 s26, $0x1;
	_ =	strace $0x80000046;
	[dreg:$0x1] =	wrdreg $0xFFFFFFFF  }
0xa8: {  	s28 =	simm.s32 $_size_execute0_lowered;
	s4 =	sadd.s32 s4, s6;
	[dreg:$0x0] =	wrdreg $0x0  }
0xa9: {  	s6 =	sshll.u32 s28, $0x1;
	[dreg:$0x2] =	wrdreg s4  }
0xaa: {  	[dreg:$0x3] =	wrdreg s6  }
0xab: {  	[dreg:$0x4] =	wrdreg $0xC0  }
0xac: {  	_ =	task [dreg:s8], $0x5FFFF  }
0xad: {  	[dreg:$0x1] =	wrdreg $0xFFFFFFFF  }
0xae: {  	[dreg:$0x0] =	wrdreg $0x60  }
0xaf: {  	[dreg:$0x2] =	wrdreg s2  }
0xb0: {  	[dreg:$0x3] =	wrdreg s24  }
0xb1: {  	[dreg:$0x4] =	wrdreg s18  }
0xb2: {  	[dreg:$0x5] =	wrdreg $0x9  }
0xb3: {  	_ =	task.clear_ibuf [dreg:s8], $0x6FFFF;
	_ =	strace $0x90000046  }
0xb4: {  	s29 =	simm.s32 $0x9;
	_ =	strace $0x80000048  }
0xb5: {  	_ =	swait.ge [sflag:s29], $0x1  }
0xb6: {  	[sflag:s29] =	ssyncadd.s32 $0xFFFFFFFF  }
0xb7: {  	_ =	strace $0x90000048  }
0xb8: {  	_ =	sfence  }
0xb9: {  	s30 =	sld [smem:$0x0];
	_ =	sdelay $0x2  }
0xba: {  	s31 =	sshll.u32 s1, $0xD;
	s1 =	sshrl.u32 s1, $0x2  }
0xbb: {  	s3 =	sand.u32 $0x4000, s31;
	s1 =	sadd.s32 s1, s30  }
0xbc: {  	s0 =	sor.u32 s3, s0;
	s1 =	sshll.u32 s1, $0x11  }
0xbd: {  	s0 =	sor.u32 s1, s0  }
0xbe: {  	s0 =	sadd.s32 $0x8F2B, s0  }
0xbf: {  	[sflag:s0] =	ssyncadd.remote.s32 $0x1  }
0xc0: {  	_ =	sfence.sel $0xFFFF  }
0xc1: {  	[dreg:$0x0] =	wrdreg $0xFFFFFFFF;
	(pc) =	sbr.abs _section_cstart, $3  }
0xc2: {  	[dreg:$0x1] =	wrdreg $0xFFFFFFFF  }
0xc3: {  	_ =	task.clear_ibuf [dreg:s8], $0x2FFFF;
	_ =	strace $0x9FFFFFFF  }
0xc4: {  	(tm) =	ssettm $0x7FFFFFFF  }
0xc5: {  	_ =	shalt  }
tec
execute0_lowered:
.L_overlay_start_1:
0x0: {  	(tag) =	ssettag $0x1  }
0x1: {  	s1 =	rddreg [dreg:$0x0]  }
0x2: {  	s0 =	rddreg [dreg:$0x1]  }
0x3: {  	s2 =	rddreg [dreg:$0x2]  }
0x4: {  	s3 =	simm.s32 $0x0;
	s4 =	srdreg.scid;
	s5 =	stileid.u32  }
0x5: {  	s17 =	simm.s32 $0xCC00;
	s18 =	simm.s32 $0xA;
	s19 =	simm.s32 $0xCC80  }
0x6: {  	s20 =	simm.s32 $0xD480;
	s28 =	simm.s32 $0x3400;
	s29 =	simm.s32 $0x3C00  }
0x7: {  	s30 =	simm.s32 $0x4400;
	s31 =	simm.s32 $0x4;
	s11 =	simm.s32 $0x1  }
0x8: {  	s12 =	simm.s32 $0x6;
	s10 =	simm.s32 $0x0;
	[smem:$0x7FF] =	sst s3  }
0x9: {  	s4 =	sand.u32 $0x1, s4;
	s5 =	sshll.u32 s5, $0x1;
	s6 =	sadd.s32 $0x1200, s0  }
0xa: {  	s21 =	sadd.s32 $0x1400, s0;
	_ =	strace $0x80000047;
	[dreg:$0x4] =	wrdreg s6  }
0xb: {  	s22 =	sadd.s32 $0x1600, s0;
	s7 =	sadd.s32 $0x2600, s0;
	[dreg:$0x5] =	wrdreg s21  }
0xc: {  	s8 =	sadd.s32 $0x3600, s0;
	s13 =	sadd.s32 $0x180, s2;
	[dreg:$0x6] =	wrdreg s22  }
0xd: {  	s5 =	sor.u32 s4, s5;
	s4 =	ssub.s32 $0x2, s4;
	[dreg:$0x7] =	wrdreg s7  }
0xe: {  	s21 =	simm.s32 $0x15480;
	s22 =	simm.s32 $0xC00;
	s23 =	smul.u32 $0x3200, s5  }
0xf: {  	v0 =	vlaneseq.u32;
	s7 =	simm.s32 $0x5;
	s24 =	sshrl.u32 s4, $0x1;
	s9 =	smul.u32 $0x64, s5  }
0x10: {  	v1 =	vand.u32 $0x7, v0;
	s0 =	ssub.s32 s4, s24;
	s24 =	simm.s32 $0x1C00;
	s25 =	sadd.s32 s2, s23  }
.Ltmp0:
0x11: {  	v11 =	vmul.u32 $0x80, v1;
	s0 =	smax.u32 s0, $0x1;
	s15 =	sor.u32 $0x1, s9;
	(pc) =	sbr.rel .LBB2_1-.Ltmp0, $4  }
0x12: {  	vm0 =	vmmov $0xff;
	v2 =	vshrl.u32 v0, $0x3;
	v3 =	vor.u32 $0x8, v0;
	s16 =	sor.u32 $0x2, s9;
	s2 =	simm.s32 $0x8C00;
	[dreg:$0x8] =	wrdreg s25  }
0x13: {  	v4 =	vmul.u32 $0x100, v0;
	v2 =	vmul.u32 $0x8, v2;
	v5 =	vor.u32 $0x400, v11;
	s26 =	sadd.s32 $0x80, s25;
	s4 =	sadd.s32 $0x100, s25;
	[dreg:$0xb] =	wrdreg s0  }
0x14: {  	v6 =	vor.u32 $0x410, v11;
	v7 =	vor.u32 $0x420, v11;
	v8 =	vor.u32 $0x430, v11;
	s25 =	simm.s32 $0x2400;
	s0 =	simm.s32 $0x4C00;
	[dreg:$0x9] =	wrdreg s26  }
0x15: {  	v9 =	vor.u32 $0x440, v11;
	v10 =	vor.u32 $0x450, v11;
	v11 =	vor.u32 $0x460, v11;
	[dreg:$0xa] =	wrdreg s4;
	s26 =	simm.s32 $0x2C00;
	s4 =	simm.s32 $0x7  }
.LBB2_16:
0x16: {  	_ =	swait.ge [sflag:s4], $0x4000  }
0x17: {  	[sflag:s4] =	ssyncset.done $0x0  }
0x18: {  	s5 =	simm.s32 $0x8;
	[sflag:s4] =	ssyncadd.s32 $0xFFFFC000  }
0x19: {  	_ =	swait.ge [sflag:s5], $0x4000  }
0x1a: {  	[sflag:s5] =	ssyncset.done $0x0  }
0x1b: {  	s6 =	simm.s32 $0x9;
	[sflag:s5] =	ssyncadd.s32 $0xFFFFC000  }
0x1c: {  	_ =	swait.ge [sflag:s6], $0x4000  }
0x1d: {  	s10 =	rddreg [dreg:$0xc]  }
0x1e: {  	s23 =	rddreg [dreg:$0xb];
	s10 =	sadd.s32 $0x1, s10  }
0x1f: {  	p0 =	sne.s32 s10, s23  }
.Ltmp1:
0x20: {  	_ = 	snop;
	(pc) =	sbr.rel @!p0 .LBB2_17-.Ltmp1, $3  }
0x21: {  	_ =	sdelay $0x1  }
0x22: {  	[sflag:s6] =	ssyncset.done $0x0  }
0x23: {  	[sflag:s6] =	ssyncadd.s32 $0xFFFFC000  }
.LBB2_1:
0x24: {  	[dreg:$0xc] =	wrdreg s10  }
0x25: {  	s5 =	rddreg [dreg:$0x4]  }
0x26: {  	[tilespmem:s17], [sflag:$0xA] =	stream.linear.gather [hbm4b:s5+s3], $0x80, $0x38;
	[tilespmem:$0x1D480] =	vst v63  }
0x27: {  	_ =	swait.ge [sflag:s18], $0x80  }
0x28: {  	[sflag:s18] =	ssyncset.done $0x0  }
0x29: {  	s10 =	rddreg [dreg:$0x5];
	[sflag:s18] =	ssyncadd.s32 $0xFFFFFF80  }
0x2a: {  	[tilespmem:s19], [sflag:$0xA] =	stream.linear.gather [hbm4b:s10+s3], $0x800, $0x38;
	[tilespmem:$0x1D480] =	vst v63  }
0x2b: {  	_ =	swait.ge [sflag:s18], $0x800  }
0x2c: {  	[sflag:s18] =	ssyncset.done $0x0  }
0x2d: {  	s14 =	rddreg [dreg:$0x6];
	[sflag:s18] =	ssyncadd.s32 $0xFFFFF800  }
0x2e: {  	[tilespmem:s20], [sflag:$0xA] =	stream.linear.gather [hbm4b:s14+s3], $0x7D00, $0x38;
	[tilespmem:$0x1D480] =	vst v63  }
0x2f: {  	_ =	swait.ge [sflag:s18], $0x7D00  }
0x30: {  	[sflag:s18] =	ssyncset.done $0x0  }
0x31: {  	s23 =	rddreg [dreg:$0x7];
	[sflag:s18] =	ssyncadd.s32 $0xFFFF8300  }
0x32: {  	[tilespmem:s21], [sflag:$0xA] =	stream.linear.gather [hbm4b:s23+s3], $0x7D00, $0x38;
	[tilespmem:$0x1D480] =	vst v63  }
0x33: {  	_ =	swait.ge [sflag:s18], $0x7D00  }
0x34: {  	[sflag:s18] =	ssyncset.done $0x0  }
0x35: {  	s6 =	rddreg [dreg:$0x8];
	[sflag:s18] =	ssyncadd.s32 $0xFFFF8300  }
0x36: {  	[tilespmem:s3], [sflag:$0xA] =	stream.linear.gather [hbm4b:s6+s3], $0x280, $0x38;
	[tilespmem:$0x1D480] =	vst v63  }
0x37: {  	_ =	swait.ge [sflag:s18], $0x280  }
0x38: {  	[sflag:s18] =	ssyncset.done $0x0  }
0x39: {  	[sflag:s18] =	ssyncadd.s32 $0xFFFFFD80  }
0x3a: {  	v12 =	vld [tilespmem:$0x0];
	_ =	sdelay $0x4  }
0x3b: {  	v13 =	vperm.xlane v12, v1;
	_ =	sdelay $0x1  }
0x3c: {  	v12 =	vperm.xlane v12, v3;
	v13 =	vadd.s32 v2, v13;
	_ =	sdelay $0x1  }
0x3d: {  	v12 =	vadd.s32 v2, v12;
	_ =	sdelay $0x2  }
0x3e: {  	[tilespmem:s22], [sflag:$0x4] =	stream.indirect_vreg.gather [hbm4b:s1+s3], $0x80, v13, vm0, $0xb8;
	[tilespmem:$0x1D480] =	vst v63  }
0x3f: {  	s10 =	simm.s32 $0x1400  }
0x40: {  	[tilespmem:s10], [sflag:$0x4] =	stream.indirect_vreg.gather [hbm4b:s1+s3], $0x80, v12, vm0, $0xb8;
	[tilespmem:$0x1D480] =	vst v63  }
0x41: {  	v12 =	vld [tilespmem:$0x10];
	_ =	sdelay $0x4  }
0x42: {  	v51 =	vperm.xlane v12, v1;
	_ =	sdelay $0x1  }
0x43: {  	v12 =	vperm.xlane v12, v3;
	v13 =	vadd.s32 v2, v51;
	_ =	sdelay $0x1  }
0x44: {  	v12 =	vadd.s32 v2, v12;
	_ =	sdelay $0x2  }
0x45: {  	[tilespmem:s24], [sflag:$0x4] =	stream.indirect_vreg.gather [hbm4b:s1+s3], $0x80, v13, vm0, $0xb8;
	[tilespmem:$0x1D480] =	vst v63  }
0x46: {  	_ = 	snop  }
0x47: {  	[tilespmem:s25], [sflag:$0x4] =	stream.indirect_vreg.gather [hbm4b:s1+s3], $0x80, v12, vm0, $0xb8;
	[tilespmem:$0x1D480] =	vst v63  }
0x48: {  	v12 =	vld [tilespmem:$0x20];
	_ =	sdelay $0x4  }
0x49: {  	v52 =	vperm.xlane v12, v1;
	_ =	sdelay $0x1  }
0x4a: {  	v12 =	vperm.xlane v12, v3;
	v13 =	vadd.s32 v2, v52;
	_ =	sdelay $0x1  }
0x4b: {  	v12 =	vadd.s32 v2, v12;
	_ =	sdelay $0x2  }
0x4c: {  	[tilespmem:s26], [sflag:$0x4] =	stream.indirect_vreg.gather [hbm4b:s1+s3], $0x80, v13, vm0, $0xb8;
	[tilespmem:$0x1D480] =	vst v63  }
0x4d: {  	_ = 	snop  }
0x4e: {  	[tilespmem:s28], [sflag:$0x4] =	stream.indirect_vreg.gather [hbm4b:s1+s3], $0x80, v12, vm0, $0xb8;
	[tilespmem:$0x1D480] =	vst v63  }
0x4f: {  	v12 =	vld [tilespmem:$0x30];
	_ =	sdelay $0x4  }
0x50: {  	v53 =	vperm.xlane v12, v1;
	_ =	sdelay $0x1  }
0x51: {  	v12 =	vperm.xlane v12, v3;
	v13 =	vadd.s32 v2, v53;
	_ =	sdelay $0x1  }
0x52: {  	v12 =	vadd.s32 v2, v12;
	_ =	sdelay $0x2  }
0x53: {  	[tilespmem:s29], [sflag:$0x4] =	stream.indirect_vreg.gather [hbm4b:s1+s3], $0x80, v13, vm0, $0xb8;
	[tilespmem:$0x1D480] =	vst v63  }
0x54: {  	_ = 	snop  }
0x55: {  	[tilespmem:s30], [sflag:$0x4] =	stream.indirect_vreg.gather [hbm4b:s1+s3], $0x80, v12, vm0, $0xb8;
	[tilespmem:$0x1D480] =	vst v63  }
0x56: {  	s6 =	simm.s32 $0x400;
	s14 =	rddreg [dreg:$0x9]  }
0x57: {  	[tilespmem:s6], [sflag:$0xA] =	stream.linear.gather [hbm4b:s14+s3], $0x280, $0x38;
	[tilespmem:$0x1D480] =	vst v63  }
0x58: {  	_ =	swait.ge [sflag:s18], $0x280  }
0x59: {  	[sflag:s18] =	ssyncset.done $0x0  }
0x5a: {  	[sflag:s18] =	ssyncadd.s32 $0xFFFFFD80  }
0x5b: {  	v54 =	vld [tilespmem:$0x400];
	_ =	sdelay $0x4  }
0x5c: {  	v55 =	vperm.xlane v54, v1;
	_ =	sdelay $0x1  }
0x5d: {  	v12 =	vperm.xlane v54, v3;
	v13 =	vadd.s32 v2, v55;
	_ =	sdelay $0x1  }
0x5e: {  	v12 =	vadd.s32 v2, v12;
	_ =	sdelay $0x2  }
0x5f: {  	[tilespmem:s0], [sflag:$0x5] =	stream.indirect_vreg.gather [hbm4b:s1+s3], $0x80, v13, vm0, $0xb8;
	[tilespmem:$0x1D480] =	vst v63  }
0x60: {  	s23 =	simm.s32 $0x5400  }
0x61: {  	[tilespmem:s23], [sflag:$0x5] =	stream.indirect_vreg.gather [hbm4b:s1+s3], $0x80, v12, vm0, $0xb8;
	[tilespmem:$0x1D480] =	vst v63  }
0x62: {  	v12 =	vld [tilespmem:$0x410];
	_ =	sdelay $0x4  }
0x63: {  	v56 =	vperm.xlane v12, v1;
	_ =	sdelay $0x1  }
0x64: {  	v12 =	vperm.xlane v12, v3;
	v13 =	vadd.s32 v2, v56;
	_ =	sdelay $0x1  }
0x65: {  	v12 =	vadd.s32 v2, v12;
	_ =	sdelay $0x1  }
0x66: {  	s6 =	simm.s32 $0x5C00  }
0x67: {  	[tilespmem:s6], [sflag:$0x5] =	stream.indirect_vreg.gather [hbm4b:s1+s3], $0x80, v13, vm0, $0xb8;
	[tilespmem:$0x1D480] =	vst v63  }
0x68: {  	s10 =	simm.s32 $0x6400  }
0x69: {  	[tilespmem:s10], [sflag:$0x5] =	stream.indirect_vreg.gather [hbm4b:s1+s3], $0x80, v12, vm0, $0xb8;
	[tilespmem:$0x1D480] =	vst v63  }
0x6a: {  	v12 =	vld [tilespmem:$0x420];
	_ =	sdelay $0x4  }
0x6b: {  	v57 =	vperm.xlane v12, v1;
	_ =	sdelay $0x1  }
0x6c: {  	v12 =	vperm.xlane v12, v3;
	v13 =	vadd.s32 v2, v57;
	_ =	sdelay $0x1  }
0x6d: {  	v12 =	vadd.s32 v2, v12;
	_ =	sdelay $0x1  }
0x6e: {  	s14 =	simm.s32 $0x6C00  }
0x6f: {  	[tilespmem:s14], [sflag:$0x5] =	stream.indirect_vreg.gather [hbm4b:s1+s3], $0x80, v13, vm0, $0xb8;
	[tilespmem:$0x1D480] =	vst v63  }
0x70: {  	s23 =	simm.s32 $0x7400  }
0x71: {  	[tilespmem:s23], [sflag:$0x5] =	stream.indirect_vreg.gather [hbm4b:s1+s3], $0x80, v12, vm0, $0xb8;
	[tilespmem:$0x1D480] =	vst v63  }
0x72: {  	v12 =	vld [tilespmem:$0x430];
	_ =	sdelay $0x4  }
0x73: {  	v58 =	vperm.xlane v12, v1;
	_ =	sdelay $0x1  }
0x74: {  	v12 =	vperm.xlane v12, v3;
	v13 =	vadd.s32 v2, v58;
	_ =	sdelay $0x1  }
0x75: {  	v12 =	vadd.s32 v2, v12;
	_ =	sdelay $0x1  }
0x76: {  	s6 =	simm.s32 $0x7C00  }
0x77: {  	[tilespmem:s6], [sflag:$0x5] =	stream.indirect_vreg.gather [hbm4b:s1+s3], $0x80, v13, vm0, $0xb8;
	[tilespmem:$0x1D480] =	vst v63  }
0x78: {  	s10 =	simm.s32 $0x8400  }
0x79: {  	[tilespmem:s10], [sflag:$0x5] =	stream.indirect_vreg.gather [hbm4b:s1+s3], $0x80, v12, vm0, $0xb8;
	[tilespmem:$0x1D480] =	vst v63  }
0x7a: {  	s14 =	rddreg [dreg:$0xa];
	s23 =	simm.s32 $0x800  }
0x7b: {  	[tilespmem:s23], [sflag:$0xA] =	stream.linear.gather [hbm4b:s14+s3], $0x280, $0x38;
	[tilespmem:$0x1D480] =	vst v63  }
0x7c: {  	_ =	swait.ge [sflag:s18], $0x280  }
0x7d: {  	[sflag:s18] =	ssyncset.done $0x0  }
0x7e: {  	[sflag:s18] =	ssyncadd.s32 $0xFFFFFD80  }
0x7f: {  	v59 =	vld [tilespmem:$0x800];
	_ =	sdelay $0x4  }
0x80: {  	v60 =	vperm.xlane v59, v1;
	_ =	sdelay $0x1  }
0x81: {  	v12 =	vperm.xlane v59, v3;
	v13 =	vadd.s32 v2, v60;
	_ =	sdelay $0x1  }
0x82: {  	v12 =	vadd.s32 v2, v12;
	_ =	sdelay $0x2  }
0x83: {  	[tilespmem:s2], [sflag:$0x6] =	stream.indirect_vreg.gather [hbm4b:s1+s3], $0x80, v13, vm0, $0xb8;
	[tilespmem:$0x1D480] =	vst v63  }
0x84: {  	s10 =	simm.s32 $0x9400  }
0x85: {  	[tilespmem:s10], [sflag:$0x6] =	stream.indirect_vreg.gather [hbm4b:s1+s3], $0x80, v12, vm0, $0xb8;
	[tilespmem:$0x1D480] =	vst v63  }
0x86: {  	v12 =	vld [tilespmem:$0x810];
	_ =	sdelay $0x4  }
0x87: {  	v61 =	vperm.xlane v12, v1;
	_ =	sdelay $0x1  }
0x88: {  	v12 =	vperm.xlane v12, v3;
	v13 =	vadd.s32 v2, v61;
	_ =	sdelay $0x1  }
0x89: {  	v12 =	vadd.s32 v2, v12;
	_ =	sdelay $0x1  }
0x8a: {  	s14 =	simm.s32 $0x9C00  }
0x8b: {  	[tilespmem:s14], [sflag:$0x6] =	stream.indirect_vreg.gather [hbm4b:s1+s3], $0x80, v13, vm0, $0xb8;
	[tilespmem:$0x1D480] =	vst v63  }
0x8c: {  	s23 =	simm.s32 $0xA400  }
0x8d: {  	[tilespmem:s23], [sflag:$0x6] =	stream.indirect_vreg.gather [hbm4b:s1+s3], $0x80, v12, vm0, $0xb8;
	[tilespmem:$0x1D480] =	vst v63  }
0x8e: {  	v12 =	vld [tilespmem:$0x820];
	_ =	sdelay $0x4  }
0x8f: {  	v62 =	vperm.xlane v12, v1;
	_ =	sdelay $0x1  }
0x90: {  	v12 =	vperm.xlane v12, v3;
	v13 =	vadd.s32 v2, v62;
	_ =	sdelay $0x1  }
0x91: {  	v12 =	vadd.s32 v2, v12;
	_ =	sdelay $0x1  }
0x92: {  	s6 =	simm.s32 $0xAC00  }
0x93: {  	[tilespmem:s6], [sflag:$0x6] =	stream.indirect_vreg.gather [hbm4b:s1+s3], $0x80, v13, vm0, $0xb8;
	[tilespmem:$0x1D480] =	vst v63  }
0x94: {  	s10 =	simm.s32 $0xB400  }
0x95: {  	[tilespmem:s10], [sflag:$0x6] =	stream.indirect_vreg.gather [hbm4b:s1+s3], $0x80, v12, vm0, $0xb8;
	[tilespmem:$0x1D480] =	vst v63  }
0x96: {  	v12 =	vld [tilespmem:$0x830];
	_ =	sdelay $0x4  }
0x97: {  	v63 =	vperm.xlane v12, v1;
	_ =	sdelay $0x1  }
0x98: {  	v12 =	vperm.xlane v12, v3;
	v13 =	vadd.s32 v2, v63;
	_ =	sdelay $0x1  }
0x99: {  	v12 =	vadd.s32 v2, v12;
	_ =	sdelay $0x1  }
0x9a: {  	s14 =	simm.s32 $0xBC00  }
0x9b: {  	[tilespmem:s14], [sflag:$0x6] =	stream.indirect_vreg.gather [hbm4b:s1+s3], $0x80, v13, vm0, $0xb8;
	[tilespmem:$0x1D480] =	vst v63  }
0x9c: {  	s23 =	simm.s32 $0xC400;
	s10 =	simm.s32 $0x0  }
0x9d: {  	[tilespmem:s23], [sflag:$0x6] =	stream.indirect_vreg.gather [hbm4b:s1+s3], $0x80, v12, vm0, $0xb8;
	[tilespmem:$0x1D480] =	vst v63  }
.LBB2_2:
0x9e: {  	_ =	swait.ge [sflag:s31], $0x2000  }
0x9f: {  	[sflag:s31] =	ssyncset.done $0x0  }
0xa0: {  	s5 =	simm.s32 $0x0;
	s6 =	simm.s32 $0x0;
	[sflag:s31] =	ssyncadd.s32 $0xFFFFE000  }
.LBB2_3:
0xa1: {  	s14 =	sshll.u32 s6, $0x4  }
0xa2: {  	v12 =	vld [tilespmem:s14+$0x80];
	_ =	sdelay $0x3  }
0xa3: {  	v16 =	vadd.s32 s5, v0  }
0xa4: {  	v22 =	vand.u32 $0xF, v16;
	v13 =	vshll.u32 v12, $0x4  }
0xa5: {  	v14 =	vld [tilespmem:s14+$0x100];
	v12 =	vmov s14;
	v17 =	vor.u32 v13, v22  }
0xa6: {  	v12 =	vshll.u32 v12, $0x8  }
0xa7: {  	v12 =	vor.u32 v4, v12  }
0xa8: {  	v12 =	vand.u32 $0x3800, v12  }
0xa9: {  	v15 =	vor.u32 v5, v12  }
0xaa: {  	v14 =	vshll.u32 v14, $0x5;
	v18 =	vor.u32 v15, v22;
	v17 =	vld.idx.msk [tilespmem:v17+s17+$0x0], $0xffff  }
0xab: {  	v19 =	vor.u32 v22, v14;
	_ =	sdelay $0x2  }
0xac: {  	v20 =	vld [tilespmem:s14+$0x180]  }
0xad: {  	v23 =	vld [tilespmem:s14+$0x200];
	v24 =	vor.u32 v12, v16;
	[tilespmem:v18+s22+$0x0] =	vst.idx.msk $0xffff, v17  }
0xae: {  	v16 =	vor.u32 $0x10, v14;
	v18 =	vor.u32 v6, v24;
	v17 =	vld.idx.msk [tilespmem:v19+s19+$0x0], $0xffff  }
0xaf: {  	v19 =	vor.u32 v22, v16;
	_ =	sdelay $0x3  }
0xb0: {  	v21 =	vor.u32 v12, v22;
	[tilespmem:v18+s22+$0x0] =	vst.idx.msk $0xffff, v17  }
0xb1: {  	v17 =	vshll.u32 v20, $0x5;
	v18 =	vld.idx.msk [tilespmem:v19+s19+$0x0], $0xffff;
	v19 =	vor.u32 v7, v21  }
0xb2: {  	v20 =	vor.u32 v22, v17;
	_ =	sdelay $0x3  }
0xb3: {  	[tilespmem:v19+s22+$0x0] =	vst.idx.msk $0xffff, v18  }
0xb4: {  	v18 =	vor.u32 $0x10, v17;
	v19 =	vld.idx.msk [tilespmem:v20+s20+$0x0], $0xffff;
	v20 =	vor.u32 v8, v24  }
0xb5: {  	v25 =	vor.u32 v22, v18;
	_ =	sdelay $0x3  }
0xb6: {  	[tilespmem:v20+s22+$0x0] =	vst.idx.msk $0xffff, v19  }
0xb7: {  	v19 =	vshll.u32 v23, $0x5;
	v23 =	vor.u32 v9, v21;
	v20 =	vld.idx.msk [tilespmem:v25+s20+$0x0], $0xffff  }
0xb8: {  	v62 =	vor.u32 v22, v19;
	_ =	sdelay $0x3  }
0xb9: {  	[tilespmem:v23+s22+$0x0] =	vst.idx.msk $0xffff, v20  }
0xba: {  	v24 =	vor.u32 v10, v24;
	v20 =	vor.u32 $0x10, v19;
	v23 =	vld.idx.msk [tilespmem:v62+s21+$0x0], $0xffff  }
0xbb: {  	v63 =	vor.u32 v22, v20;
	_ =	sdelay $0x3  }
0xbc: {  	s23 =	simm.s32 $0x1;
	[tilespmem:v24+s22+$0x0] =	vst.idx.msk $0xffff, v23  }
0xbd: {  	s14 =	simm.s32 $0x2;
	v22 =	vadd.s32 s23, v0;
	v23 =	vld.idx.msk [tilespmem:v63+s21+$0x0], $0xffff  }
.LBB2_4:
0xbe: {  	p0 =	sne.s32 s14, $0xF;
	v24 =	vand.u32 $0xF, v22;
	v21 =	vor.u32 v11, v21  }
0xbf: {  	v25 =	vor.u32 v13, v24;
	_ =	sdelay $0x3  }
0xc0: {  	[tilespmem:v21+s22+$0x0] =	vst.idx.msk $0xffff, v23  }
0xc1: {  	v21 =	vld.idx.msk [tilespmem:v25+s17+$0x0], $0xffff  }
0xc2: {  	v23 =	vor.u32 v15, v24  }
0xc3: {  	v25 =	vor.u32 v24, v14;
	_ =	sdelay $0x3  }
0xc4: {  	[tilespmem:v23+s22+$0x0] =	vst.idx.msk $0xffff, v21  }
0xc5: {  	v22 =	vor.u32 v12, v22;
	v21 =	vld.idx.msk [tilespmem:v25+s19+$0x0], $0xffff  }
0xc6: {  	v23 =	vor.u32 v6, v22  }
0xc7: {  	v25 =	vor.u32 v24, v16;
	_ =	sdelay $0x3  }
0xc8: {  	[tilespmem:v23+s22+$0x0] =	vst.idx.msk $0xffff, v21  }
0xc9: {  	v21 =	vor.u32 v12, v24;
	v23 =	vld.idx.msk [tilespmem:v25+s19+$0x0], $0xffff  }
0xca: {  	v25 =	vor.u32 v7, v21  }
0xcb: {  	v26 =	vor.u32 v24, v17;
	_ =	sdelay $0x3  }
0xcc: {  	[tilespmem:v25+s22+$0x0] =	vst.idx.msk $0xffff, v23  }
0xcd: {  	v23 =	vld.idx.msk [tilespmem:v26+s20+$0x0], $0xffff  }
0xce: {  	v25 =	vor.u32 v8, v22  }
0xcf: {  	v26 =	vor.u32 v24, v18;
	_ =	sdelay $0x3  }
0xd0: {  	[tilespmem:v25+s22+$0x0] =	vst.idx.msk $0xffff, v23  }
0xd1: {  	v23 =	vld.idx.msk [tilespmem:v26+s20+$0x0], $0xffff  }
0xd2: {  	v25 =	vor.u32 v9, v21  }
0xd3: {  	v26 =	vor.u32 v24, v19;
	_ =	sdelay $0x3  }
0xd4: {  	[tilespmem:v25+s22+$0x0] =	vst.idx.msk $0xffff, v23  }
0xd5: {  	v23 =	vld.idx.msk [tilespmem:v26+s21+$0x0], $0xffff  }
0xd6: {  	v22 =	vor.u32 v10, v22  }
0xd7: {  	v24 =	vor.u32 v24, v20  }
.Ltmp2:
0xd8: {  	(pc) =	sbr.rel @p0 .LBB2_4-.Ltmp2, $3  }
0xd9: {  	_ =	sdelay $0x1  }
0xda: {  	[tilespmem:v22+s22+$0x0] =	vst.idx.msk $0xffff, v23  }
0xdb: {  	v22 =	vadd.s32 s14, v0;
	s14 =	sadd.s32 $0x1, s14;
	v23 =	vld.idx.msk [tilespmem:v24+s21+$0x0], $0xffff  }
0xdc: {  	v24 =	vand.u32 $0xF, v22;
	v21 =	vor.u32 v11, v21  }
0xdd: {  	v13 =	vor.u32 v13, v24;
	_ =	sdelay $0x3  }
0xde: {  	[tilespmem:v21+s22+$0x0] =	vst.idx.msk $0xffff, v23  }
0xdf: {  	v15 =	vor.u32 v15, v24;
	v13 =	vld.idx.msk [tilespmem:v13+s17+$0x0], $0xffff  }
0xe0: {  	v14 =	vor.u32 v24, v14;
	_ =	sdelay $0x3  }
0xe1: {  	v54 =	vor.u32 v12, v22;
	[tilespmem:v15+s22+$0x0] =	vst.idx.msk $0xffff, v13  }
0xe2: {  	v55 =	vor.u32 v6, v54;
	v14 =	vld.idx.msk [tilespmem:v14+s19+$0x0], $0xffff  }
0xe3: {  	v16 =	vor.u32 v24, v16;
	_ =	sdelay $0x3  }
0xe4: {  	v56 =	vor.u32 v12, v24;
	[tilespmem:v55+s22+$0x0] =	vst.idx.msk $0xffff, v14  }
0xe5: {  	v57 =	vor.u32 v7, v56;
	v14 =	vld.idx.msk [tilespmem:v16+s19+$0x0], $0xffff  }
0xe6: {  	v58 =	vor.u32 v24, v17;
	_ =	sdelay $0x3  }
0xe7: {  	[tilespmem:v57+s22+$0x0] =	vst.idx.msk $0xffff, v14  }
0xe8: {  	v59 =	vor.u32 v8, v54;
	v14 =	vld.idx.msk [tilespmem:v58+s20+$0x0], $0xffff  }
0xe9: {  	v60 =	vor.u32 v24, v18;
	_ =	sdelay $0x3  }
0xea: {  	[tilespmem:v59+s22+$0x0] =	vst.idx.msk $0xffff, v14  }
0xeb: {  	v61 =	vor.u32 v9, v56;
	v14 =	vld.idx.msk [tilespmem:v60+s20+$0x0], $0xffff  }
0xec: {  	v62 =	vor.u32 v24, v19;
	_ =	sdelay $0x3  }
0xed: {  	[tilespmem:v61+s22+$0x0] =	vst.idx.msk $0xffff, v14  }
0xee: {  	v13 =	vor.u32 v10, v54;
	v14 =	vld.idx.msk [tilespmem:v62+s21+$0x0], $0xffff  }
0xef: {  	v63 =	vor.u32 v24, v20;
	_ =	sdelay $0x3  }
0xf0: {  	s6 =	sadd.s32 $0x1, s6;
	[tilespmem:v13+s22+$0x0] =	vst.idx.msk $0xffff, v14  }
0xf1: {  	p0 =	sne.s32 s6, $0x4;
	v12 =	vor.u32 v11, v56;
	v13 =	vld.idx.msk [tilespmem:v63+s21+$0x0], $0xffff  }
.Ltmp3:
0xf2: {  	_ = 	snop;
	(pc) =	sbr.rel @p0 .LBB2_3-.Ltmp3, $2  }
0xf3: {  	_ =	sdelay $0x2  }
0xf4: {  	[tilespmem:v12+s22+$0x0] =	vst.idx.msk $0xffff, v13  }
0xf5: {  	s5 =	smul.u32 $0x3, s10;
	p0 =	seq.s32 s10, $0x21  }
.Ltmp4:
0xf6: {  	_ = 	snop;
	(pc) =	sbr.rel @p0 .LBB2_16-.Ltmp4, $4  }
0xf7: {  	s6 =	sadd.s32 s9, s5  }
0xf8: {  	s14 =	sshll.u32 s6, $0xB  }
0xf9: {  	s14 =	sadd.s32 s8, s14  }
0xfa: {  	[hbm4b:s14+s3] =	stream.linear.scatter [tilespmem:s22], [sflag:$0x7], $0x4000, $0x38;
	[tilespmem:$0x1D480] =	vst v63  }
0xfb: {  	s6 =	sshll.u32 s6, $0x7;
	s23 =	sadd.s32 $0xFFFFFFFF, s5  }
0xfc: {  	s6 =	sadd.s32 s6, s13;
	p0 =	sgt.u32 s23, $0x60  }
0xfd: {  	[tilespmem:s3], [sflag:$0x1] =	stream.linear.gather [hbm4b:s6+s3], $0x280, $0x38;
	[tilespmem:$0x1D480] =	vst v63  }
0xfe: {  	s6 =	simm.s32 @!p0 $0x3  }
0xff: {  	_ =	swait.ge @!p0 [sflag:s6], $0x280  }
0x100: {  	[sflag:s6] =	ssyncset.done @!p0 $0x0  }
0x101: {  	[sflag:s6] =	ssyncadd.s32 @!p0 $0xFFFFFD80;
	s6 =	simm.s32 @!p0 $0x9  }
0x102: {  	_ =	swait.ge @!p0 [sflag:s6], $0x4000  }
0x103: {  	[sflag:s6] =	ssyncset.done @!p0 $0x0  }
0x104: {  	[sflag:s6] =	ssyncadd.s32 @!p0 $0xFFFFC000  }
0x105: {  	v12 =	vld @!p0 [tilespmem:$0x800];
	_ =	sdelay $0x2  }
0x106: {  	v13 =	vlaneseq.u32 @!p0  }
0x107: {  	v14 =	vand.u32 @!p0 $0x7, v13;
	v15 =	vshrl.u32 @!p0 v13, $0x3  }
0x108: {  	v15 =	vmul.u32 @!p0 $0x8, v15;
	v16 =	vperm.xlane @!p0 v12, v14  }
0x109: {  	v13 =	vor.u32 @!p0 $0x8, v13  }
0x10a: {  	v12 =	vperm.xlane @!p0 v12, v13;
	v16 =	vadd.s32 @!p0 v15, v16;
	_ =	sdelay $0x1  }
0x10b: {  	v12 =	vadd.s32 @!p0 v15, v12;
	_ =	sdelay $0x1  }
0x10c: {  	vm1 =	vmmov @!p0 $0xff;
	s14 =	simm.s32 @!p0 $0x8C00;
	s6 =	simm.s32 @!p0 $0x0  }
0x10d: {  	[tilespmem:s14], [sflag:$0x6] =	stream.indirect_vreg.gather @!p0 [hbm4b:s1+s6], $0x80, v16, vm1, $0xb8;
	[tilespmem:$0x1D480] =	vst v63  }
0x10e: {  	s14 =	simm.s32 @!p0 $0x9400  }
0x10f: {  	[tilespmem:s14], [sflag:$0x6] =	stream.indirect_vreg.gather @!p0 [hbm4b:s1+s6], $0x80, v12, vm1, $0xb8;
	[tilespmem:$0x1D480] =	vst v63  }
0x110: {  	v12 =	vld @!p0 [tilespmem:$0x810];
	_ =	sdelay $0x4  }
0x111: {  	v16 =	vperm.xlane @!p0 v12, v14;
	_ =	sdelay $0x1  }
0x112: {  	v12 =	vperm.xlane @!p0 v12, v13;
	v16 =	vadd.s32 @!p0 v15, v16;
	_ =	sdelay $0x1  }
0x113: {  	v12 =	vadd.s32 @!p0 v15, v12;
	_ =	sdelay $0x1  }
0x114: {  	s14 =	simm.s32 @!p0 $0x9C00  }
0x115: {  	[tilespmem:s14], [sflag:$0x6] =	stream.indirect_vreg.gather @!p0 [hbm4b:s1+s6], $0x80, v16, vm1, $0xb8;
	[tilespmem:$0x1D480] =	vst v63  }
0x116: {  	s14 =	simm.s32 @!p0 $0xA400  }
0x117: {  	[tilespmem:s14], [sflag:$0x6] =	stream.indirect_vreg.gather @!p0 [hbm4b:s1+s6], $0x80, v12, vm1, $0xb8;
	[tilespmem:$0x1D480] =	vst v63  }
0x118: {  	v12 =	vld @!p0 [tilespmem:$0x820];
	_ =	sdelay $0x4  }
0x119: {  	v16 =	vperm.xlane @!p0 v12, v14;
	_ =	sdelay $0x1  }
0x11a: {  	v12 =	vperm.xlane @!p0 v12, v13;
	v16 =	vadd.s32 @!p0 v15, v16;
	_ =	sdelay $0x1  }
0x11b: {  	v12 =	vadd.s32 @!p0 v15, v12;
	_ =	sdelay $0x1  }
0x11c: {  	s14 =	simm.s32 @!p0 $0xAC00  }
0x11d: {  	[tilespmem:s14], [sflag:$0x6] =	stream.indirect_vreg.gather @!p0 [hbm4b:s1+s6], $0x80, v16, vm1, $0xb8;
	[tilespmem:$0x1D480] =	vst v63  }
0x11e: {  	s14 =	simm.s32 @!p0 $0xB400  }
0x11f: {  	[tilespmem:s14], [sflag:$0x6] =	stream.indirect_vreg.gather @!p0 [hbm4b:s1+s6], $0x80, v12, vm1, $0xb8;
	[tilespmem:$0x1D480] =	vst v63  }
0x120: {  	v12 =	vld @!p0 [tilespmem:$0x830];
	_ =	sdelay $0x4  }
0x121: {  	v14 =	vperm.xlane @!p0 v12, v14;
	_ =	sdelay $0x1  }
0x122: {  	v12 =	vperm.xlane @!p0 v12, v13;
	v14 =	vadd.s32 @!p0 v15, v14;
	_ =	sdelay $0x1  }
0x123: {  	v12 =	vadd.s32 @!p0 v15, v12;
	_ =	sdelay $0x1  }
0x124: {  	s14 =	simm.s32 @!p0 $0xBC00  }
0x125: {  	[tilespmem:s14], [sflag:$0x6] =	stream.indirect_vreg.gather @!p0 [hbm4b:s1+s6], $0x80, v14, vm1, $0xb8;
	[tilespmem:$0x1D480] =	vst v63  }
0x126: {  	s14 =	simm.s32 @!p0 $0xC400  }
0x127: {  	[tilespmem:s14], [sflag:$0x6] =	stream.indirect_vreg.gather @!p0 [hbm4b:s1+s6], $0x80, v12, vm1, $0xb8;
	[tilespmem:$0x1D480] =	vst v63  }
0x128: {  	_ =	swait.ge [sflag:s7], $0x2000  }
0x129: {  	[sflag:s7] =	ssyncset.done $0x0  }
0x12a: {  	s6 =	simm.s32 $0x0;
	s14 =	simm.s32 $0x0;
	[sflag:s7] =	ssyncadd.s32 $0xFFFFE000  }
.LBB2_8:
0x12b: {  	s23 =	sshll.u32 s14, $0x4  }
0x12c: {  	v12 =	vld [tilespmem:s23+$0x480];
	_ =	sdelay $0x3  }
0x12d: {  	v16 =	vadd.s32 s6, v0  }
0x12e: {  	v22 =	vand.u32 $0xF, v16;
	v13 =	vshll.u32 v12, $0x4  }
0x12f: {  	v14 =	vld [tilespmem:s23+$0x500];
	v12 =	vmov s23;
	v17 =	vor.u32 v13, v22  }
0x130: {  	v12 =	vshll.u32 v12, $0x8  }
0x131: {  	v12 =	vor.u32 v4, v12  }
0x132: {  	v12 =	vand.u32 $0x3800, v12  }
0x133: {  	v15 =	vor.u32 v5, v12  }
0x134: {  	v14 =	vshll.u32 v14, $0x5;
	v18 =	vor.u32 v15, v22;
	v17 =	vld.idx.msk [tilespmem:v17+s17+$0x0], $0xffff  }
0x135: {  	v19 =	vor.u32 v22, v14;
	_ =	sdelay $0x2  }
0x136: {  	v20 =	vld [tilespmem:s23+$0x580]  }
0x137: {  	v23 =	vld [tilespmem:s23+$0x600];
	v24 =	vor.u32 v12, v16;
	[tilespmem:v18+s0+$0x0] =	vst.idx.msk $0xffff, v17  }
0x138: {  	v16 =	vor.u32 $0x10, v14;
	v18 =	vor.u32 v6, v24;
	v17 =	vld.idx.msk [tilespmem:v19+s19+$0x0], $0xffff  }
0x139: {  	v19 =	vor.u32 v22, v16;
	_ =	sdelay $0x3  }
0x13a: {  	v21 =	vor.u32 v12, v22;
	[tilespmem:v18+s0+$0x0] =	vst.idx.msk $0xffff, v17  }
0x13b: {  	v17 =	vshll.u32 v20, $0x5;
	v18 =	vld.idx.msk [tilespmem:v19+s19+$0x0], $0xffff;
	v19 =	vor.u32 v7, v21  }
0x13c: {  	v20 =	vor.u32 v22, v17;
	_ =	sdelay $0x3  }
0x13d: {  	[tilespmem:v19+s0+$0x0] =	vst.idx.msk $0xffff, v18  }
0x13e: {  	v18 =	vor.u32 $0x10, v17;
	v19 =	vld.idx.msk [tilespmem:v20+s20+$0x0], $0xffff;
	v20 =	vor.u32 v8, v24  }
0x13f: {  	v25 =	vor.u32 v22, v18;
	_ =	sdelay $0x3  }
0x140: {  	[tilespmem:v20+s0+$0x0] =	vst.idx.msk $0xffff, v19  }
0x141: {  	v19 =	vshll.u32 v23, $0x5;
	v23 =	vor.u32 v9, v21;
	v20 =	vld.idx.msk [tilespmem:v25+s20+$0x0], $0xffff  }
0x142: {  	v62 =	vor.u32 v22, v19;
	_ =	sdelay $0x3  }
0x143: {  	[tilespmem:v23+s0+$0x0] =	vst.idx.msk $0xffff, v20  }
0x144: {  	v24 =	vor.u32 v10, v24;
	v20 =	vor.u32 $0x10, v19;
	v23 =	vld.idx.msk [tilespmem:v62+s21+$0x0], $0xffff  }
0x145: {  	v63 =	vor.u32 v22, v20;
	_ =	sdelay $0x3  }
0x146: {  	s23 =	simm.s32 $0x1;
	[tilespmem:v24+s0+$0x0] =	vst.idx.msk $0xffff, v23  }
0x147: {  	v22 =	vadd.s32 s23, v0;
	s23 =	simm.s32 $0x2;
	v23 =	vld.idx.msk [tilespmem:v63+s21+$0x0], $0xffff  }
.LBB2_9:
0x148: {  	p0 =	sne.s32 s23, $0xF;
	v24 =	vand.u32 $0xF, v22;
	v21 =	vor.u32 v11, v21  }
0x149: {  	v25 =	vor.u32 v13, v24;
	_ =	sdelay $0x3  }
0x14a: {  	[tilespmem:v21+s0+$0x0] =	vst.idx.msk $0xffff, v23  }
0x14b: {  	v21 =	vld.idx.msk [tilespmem:v25+s17+$0x0], $0xffff  }
0x14c: {  	v23 =	vor.u32 v15, v24  }
0x14d: {  	v25 =	vor.u32 v24, v14;
	_ =	sdelay $0x3  }
0x14e: {  	[tilespmem:v23+s0+$0x0] =	vst.idx.msk $0xffff, v21  }
0x14f: {  	v22 =	vor.u32 v12, v22;
	v21 =	vld.idx.msk [tilespmem:v25+s19+$0x0], $0xffff  }
0x150: {  	v23 =	vor.u32 v6, v22  }
0x151: {  	v25 =	vor.u32 v24, v16;
	_ =	sdelay $0x3  }
0x152: {  	[tilespmem:v23+s0+$0x0] =	vst.idx.msk $0xffff, v21  }
0x153: {  	v21 =	vor.u32 v12, v24;
	v23 =	vld.idx.msk [tilespmem:v25+s19+$0x0], $0xffff  }
0x154: {  	v25 =	vor.u32 v7, v21  }
0x155: {  	v26 =	vor.u32 v24, v17;
	_ =	sdelay $0x3  }
0x156: {  	[tilespmem:v25+s0+$0x0] =	vst.idx.msk $0xffff, v23  }
0x157: {  	v23 =	vld.idx.msk [tilespmem:v26+s20+$0x0], $0xffff  }
0x158: {  	v25 =	vor.u32 v8, v22  }
0x159: {  	v26 =	vor.u32 v24, v18;
	_ =	sdelay $0x3  }
0x15a: {  	[tilespmem:v25+s0+$0x0] =	vst.idx.msk $0xffff, v23  }
0x15b: {  	v23 =	vld.idx.msk [tilespmem:v26+s20+$0x0], $0xffff  }
0x15c: {  	v25 =	vor.u32 v9, v21  }
0x15d: {  	v26 =	vor.u32 v24, v19;
	_ =	sdelay $0x3  }
0x15e: {  	[tilespmem:v25+s0+$0x0] =	vst.idx.msk $0xffff, v23  }
0x15f: {  	v23 =	vld.idx.msk [tilespmem:v26+s21+$0x0], $0xffff  }
0x160: {  	v22 =	vor.u32 v10, v22  }
0x161: {  	v24 =	vor.u32 v24, v20  }
.Ltmp5:
0x162: {  	(pc) =	sbr.rel @p0 .LBB2_9-.Ltmp5, $3  }
0x163: {  	_ =	sdelay $0x1  }
0x164: {  	[tilespmem:v22+s0+$0x0] =	vst.idx.msk $0xffff, v23  }
0x165: {  	v22 =	vadd.s32 s23, v0;
	s23 =	sadd.s32 $0x1, s23;
	v23 =	vld.idx.msk [tilespmem:v24+s21+$0x0], $0xffff  }
0x166: {  	v24 =	vand.u32 $0xF, v22;
	v21 =	vor.u32 v11, v21  }
0x167: {  	v13 =	vor.u32 v13, v24;
	_ =	sdelay $0x3  }
0x168: {  	[tilespmem:v21+s0+$0x0] =	vst.idx.msk $0xffff, v23  }
0x169: {  	v15 =	vor.u32 v15, v24;
	v13 =	vld.idx.msk [tilespmem:v13+s17+$0x0], $0xffff  }
0x16a: {  	v14 =	vor.u32 v24, v14;
	_ =	sdelay $0x3  }
0x16b: {  	v54 =	vor.u32 v12, v22;
	[tilespmem:v15+s0+$0x0] =	vst.idx.msk $0xffff, v13  }
0x16c: {  	v55 =	vor.u32 v6, v54;
	v14 =	vld.idx.msk [tilespmem:v14+s19+$0x0], $0xffff  }
0x16d: {  	v16 =	vor.u32 v24, v16;
	_ =	sdelay $0x3  }
0x16e: {  	v56 =	vor.u32 v12, v24;
	[tilespmem:v55+s0+$0x0] =	vst.idx.msk $0xffff, v14  }
0x16f: {  	v57 =	vor.u32 v7, v56;
	v14 =	vld.idx.msk [tilespmem:v16+s19+$0x0], $0xffff  }
0x170: {  	v58 =	vor.u32 v24, v17;
	_ =	sdelay $0x3  }
0x171: {  	[tilespmem:v57+s0+$0x0] =	vst.idx.msk $0xffff, v14  }
0x172: {  	v59 =	vor.u32 v8, v54;
	v14 =	vld.idx.msk [tilespmem:v58+s20+$0x0], $0xffff  }
0x173: {  	v60 =	vor.u32 v24, v18;
	_ =	sdelay $0x3  }
0x174: {  	[tilespmem:v59+s0+$0x0] =	vst.idx.msk $0xffff, v14  }
0x175: {  	v61 =	vor.u32 v9, v56;
	v14 =	vld.idx.msk [tilespmem:v60+s20+$0x0], $0xffff  }
0x176: {  	v62 =	vor.u32 v24, v19;
	_ =	sdelay $0x3  }
0x177: {  	[tilespmem:v61+s0+$0x0] =	vst.idx.msk $0xffff, v14  }
0x178: {  	v13 =	vor.u32 v10, v54;
	v14 =	vld.idx.msk [tilespmem:v62+s21+$0x0], $0xffff  }
0x179: {  	v63 =	vor.u32 v24, v20;
	_ =	sdelay $0x3  }
0x17a: {  	s14 =	sadd.s32 $0x1, s14;
	[tilespmem:v13+s0+$0x0] =	vst.idx.msk $0xffff, v14  }
0x17b: {  	p0 =	sne.s32 s14, $0x4;
	v12 =	vor.u32 v11, v56;
	v13 =	vld.idx.msk [tilespmem:v63+s21+$0x0], $0xffff  }
.Ltmp6:
0x17c: {  	_ = 	snop;
	(pc) =	sbr.rel @p0 .LBB2_8-.Ltmp6, $2  }
0x17d: {  	_ =	sdelay $0x2  }
0x17e: {  	[tilespmem:v12+s0+$0x0] =	vst.idx.msk $0xffff, v13  }
0x17f: {  	s6 =	sadd.s32 s15, s5  }
0x180: {  	s14 =	sshll.u32 s6, $0xB  }
0x181: {  	p0 =	sgt.u32 s10, $0x1F;
	s14 =	sand.u32 $0x1FFFF800, s14  }
0x182: {  	s6 =	sshll.u32 @!p0 s6, $0x7;
	s14 =	sadd.s32 s8, s14  }
0x183: {  	[hbm4b:s14+s3] =	stream.linear.scatter [tilespmem:s0], [sflag:$0x8], $0x4000, $0x38;
	[tilespmem:$0x1D480] =	vst v63  }
0x184: {  	s23 =	simm.s32 @!p0 $0x400;
	s6 =	sadd.s32 @!p0 s6, s13;
	s14 =	simm.s32 @!p0 $0x0  }
0x185: {  	[tilespmem:s23], [sflag:$0x2] =	stream.linear.gather @!p0 [hbm4b:s6+s14], $0x280, $0x38;
	[tilespmem:$0x1D480] =	vst v63  }
0x186: {  	_ =	swait.ge [sflag:s11], $0x280  }
0x187: {  	[sflag:s11] =	ssyncset.done $0x0  }
0x188: {  	[sflag:s11] =	ssyncadd.s32 $0xFFFFFD80  }
0x189: {  	_ =	swait.ge [sflag:s4], $0x4000  }
0x18a: {  	[sflag:s4] =	ssyncset.done $0x0  }
0x18b: {  	[sflag:s4] =	ssyncadd.s32 $0xFFFFC000  }
0x18c: {  	v12 =	vld [tilespmem:$0x0];
	_ =	sdelay $0x4  }
0x18d: {  	v13 =	vperm.xlane v12, v1;
	_ =	sdelay $0x1  }
0x18e: {  	v12 =	vperm.xlane v12, v3;
	v13 =	vadd.s32 v2, v13;
	_ =	sdelay $0x1  }
0x18f: {  	v12 =	vadd.s32 v2, v12;
	_ =	sdelay $0x1  }
0x190: {  	s6 =	simm.s32 $0x0  }
0x191: {  	[tilespmem:s22], [sflag:$0x4] =	stream.indirect_vreg.gather [hbm4b:s1+s6], $0x80, v13, vm0, $0xb8;
	[tilespmem:$0x1D480] =	vst v63  }
0x192: {  	s23 =	simm.s32 $0x1400  }
0x193: {  	[tilespmem:s23], [sflag:$0x4] =	stream.indirect_vreg.gather [hbm4b:s1+s6], $0x80, v12, vm0, $0xb8;
	[tilespmem:$0x1D480] =	vst v63  }
0x194: {  	v12 =	vld [tilespmem:$0x10];
	_ =	sdelay $0x4  }
0x195: {  	v61 =	vperm.xlane v12, v1;
	_ =	sdelay $0x1  }
0x196: {  	v12 =	vperm.xlane v12, v3;
	v13 =	vadd.s32 v2, v61;
	_ =	sdelay $0x1  }
0x197: {  	v12 =	vadd.s32 v2, v12;
	_ =	sdelay $0x2  }
0x198: {  	[tilespmem:s24], [sflag:$0x4] =	stream.indirect_vreg.gather [hbm4b:s1+s6], $0x80, v13, vm0, $0xb8;
	[tilespmem:$0x1D480] =	vst v63  }
0x199: {  	_ = 	snop  }
0x19a: {  	[tilespmem:s25], [sflag:$0x4] =	stream.indirect_vreg.gather [hbm4b:s1+s6], $0x80, v12, vm0, $0xb8;
	[tilespmem:$0x1D480] =	vst v63  }
0x19b: {  	v12 =	vld [tilespmem:$0x20];
	_ =	sdelay $0x4  }
0x19c: {  	v62 =	vperm.xlane v12, v1;
	_ =	sdelay $0x1  }
0x19d: {  	v12 =	vperm.xlane v12, v3;
	v13 =	vadd.s32 v2, v62;
	_ =	sdelay $0x1  }
0x19e: {  	v12 =	vadd.s32 v2, v12;
	_ =	sdelay $0x2  }
0x19f: {  	[tilespmem:s26], [sflag:$0x4] =	stream.indirect_vreg.gather [hbm4b:s1+s6], $0x80, v13, vm0, $0xb8;
	[tilespmem:$0x1D480] =	vst v63  }
0x1a0: {  	_ = 	snop  }
0x1a1: {  	[tilespmem:s28], [sflag:$0x4] =	stream.indirect_vreg.gather [hbm4b:s1+s6], $0x80, v12, vm0, $0xb8;
	[tilespmem:$0x1D480] =	vst v63  }
0x1a2: {  	v12 =	vld [tilespmem:$0x30];
	_ =	sdelay $0x4  }
0x1a3: {  	v63 =	vperm.xlane v12, v1;
	_ =	sdelay $0x1  }
0x1a4: {  	v12 =	vperm.xlane v12, v3;
	v13 =	vadd.s32 v2, v63;
	_ =	sdelay $0x1  }
0x1a5: {  	v12 =	vadd.s32 v2, v12;
	_ =	sdelay $0x2  }
0x1a6: {  	[tilespmem:s29], [sflag:$0x4] =	stream.indirect_vreg.gather [hbm4b:s1+s6], $0x80, v13, vm0, $0xb8;
	[tilespmem:$0x1D480] =	vst v63  }
0x1a7: {  	_ = 	snop  }
0x1a8: {  	[tilespmem:s30], [sflag:$0x4] =	stream.indirect_vreg.gather [hbm4b:s1+s6], $0x80, v12, vm0, $0xb8;
	[tilespmem:$0x1D480] =	vst v63  }
0x1a9: {  	_ =	swait.ge [sflag:s12], $0x2000  }
0x1aa: {  	[sflag:s12] =	ssyncset.done $0x0  }
0x1ab: {  	s14 =	simm.s32 $0x0;
	[sflag:s12] =	ssyncadd.s32 $0xFFFFE000  }
.LBB2_12:
0x1ac: {  	s23 =	sshll.u32 s14, $0x4  }
0x1ad: {  	v12 =	vld [tilespmem:s23+$0x880];
	_ =	sdelay $0x3  }
0x1ae: {  	v16 =	vadd.s32 s6, v0  }
0x1af: {  	v22 =	vand.u32 $0xF, v16;
	v13 =	vshll.u32 v12, $0x4  }
0x1b0: {  	v14 =	vld [tilespmem:s23+$0x900];
	v12 =	vmov s23;
	v17 =	vor.u32 v13, v22  }
0x1b1: {  	v12 =	vshll.u32 v12, $0x8  }
0x1b2: {  	v12 =	vor.u32 v4, v12  }
0x1b3: {  	v12 =	vand.u32 $0x3800, v12  }
0x1b4: {  	v15 =	vor.u32 v5, v12  }
0x1b5: {  	v14 =	vshll.u32 v14, $0x5;
	v18 =	vor.u32 v15, v22;
	v17 =	vld.idx.msk [tilespmem:v17+s17+$0x0], $0xffff  }
0x1b6: {  	v19 =	vor.u32 v22, v14;
	_ =	sdelay $0x2  }
0x1b7: {  	v20 =	vld [tilespmem:s23+$0x980]  }
0x1b8: {  	v23 =	vld [tilespmem:s23+$0xA00];
	v24 =	vor.u32 v12, v16;
	[tilespmem:v18+s2+$0x0] =	vst.idx.msk $0xffff, v17  }
0x1b9: {  	v16 =	vor.u32 $0x10, v14;
	v18 =	vor.u32 v6, v24;
	v17 =	vld.idx.msk [tilespmem:v19+s19+$0x0], $0xffff  }
0x1ba: {  	v19 =	vor.u32 v22, v16;
	_ =	sdelay $0x3  }
0x1bb: {  	v21 =	vor.u32 v12, v22;
	[tilespmem:v18+s2+$0x0] =	vst.idx.msk $0xffff, v17  }
0x1bc: {  	v17 =	vshll.u32 v20, $0x5;
	v18 =	vld.idx.msk [tilespmem:v19+s19+$0x0], $0xffff;
	v19 =	vor.u32 v7, v21  }
0x1bd: {  	v20 =	vor.u32 v22, v17;
	_ =	sdelay $0x3  }
0x1be: {  	[tilespmem:v19+s2+$0x0] =	vst.idx.msk $0xffff, v18  }
0x1bf: {  	v18 =	vor.u32 $0x10, v17;
	v19 =	vld.idx.msk [tilespmem:v20+s20+$0x0], $0xffff;
	v20 =	vor.u32 v8, v24  }
0x1c0: {  	v25 =	vor.u32 v22, v18;
	_ =	sdelay $0x3  }
0x1c1: {  	[tilespmem:v20+s2+$0x0] =	vst.idx.msk $0xffff, v19  }
0x1c2: {  	v19 =	vshll.u32 v23, $0x5;
	v23 =	vor.u32 v9, v21;
	v20 =	vld.idx.msk [tilespmem:v25+s20+$0x0], $0xffff  }
0x1c3: {  	v62 =	vor.u32 v22, v19;
	_ =	sdelay $0x3  }
0x1c4: {  	[tilespmem:v23+s2+$0x0] =	vst.idx.msk $0xffff, v20  }
0x1c5: {  	v24 =	vor.u32 v10, v24;
	v20 =	vor.u32 $0x10, v19;
	v23 =	vld.idx.msk [tilespmem:v62+s21+$0x0], $0xffff  }
0x1c6: {  	v63 =	vor.u32 v22, v20;
	_ =	sdelay $0x3  }
0x1c7: {  	s23 =	simm.s32 $0x1;
	[tilespmem:v24+s2+$0x0] =	vst.idx.msk $0xffff, v23  }
0x1c8: {  	v22 =	vadd.s32 s23, v0;
	s23 =	simm.s32 $0x2;
	v23 =	vld.idx.msk [tilespmem:v63+s21+$0x0], $0xffff  }
.LBB2_13:
0x1c9: {  	p1 =	sne.s32 s23, $0xF;
	v24 =	vand.u32 $0xF, v22;
	v21 =	vor.u32 v11, v21  }
0x1ca: {  	v25 =	vor.u32 v13, v24;
	_ =	sdelay $0x3  }
0x1cb: {  	[tilespmem:v21+s2+$0x0] =	vst.idx.msk $0xffff, v23  }
0x1cc: {  	v21 =	vld.idx.msk [tilespmem:v25+s17+$0x0], $0xffff  }
0x1cd: {  	v23 =	vor.u32 v15, v24  }
0x1ce: {  	v25 =	vor.u32 v24, v14;
	_ =	sdelay $0x3  }
0x1cf: {  	[tilespmem:v23+s2+$0x0] =	vst.idx.msk $0xffff, v21  }
0x1d0: {  	v22 =	vor.u32 v12, v22;
	v21 =	vld.idx.msk [tilespmem:v25+s19+$0x0], $0xffff  }
0x1d1: {  	v23 =	vor.u32 v6, v22  }
0x1d2: {  	v25 =	vor.u32 v24, v16;
	_ =	sdelay $0x3  }
0x1d3: {  	[tilespmem:v23+s2+$0x0] =	vst.idx.msk $0xffff, v21  }
0x1d4: {  	v21 =	vor.u32 v12, v24;
	v23 =	vld.idx.msk [tilespmem:v25+s19+$0x0], $0xffff  }
0x1d5: {  	v25 =	vor.u32 v7, v21  }
0x1d6: {  	v26 =	vor.u32 v24, v17;
	_ =	sdelay $0x3  }
0x1d7: {  	[tilespmem:v25+s2+$0x0] =	vst.idx.msk $0xffff, v23  }
0x1d8: {  	v23 =	vld.idx.msk [tilespmem:v26+s20+$0x0], $0xffff  }
0x1d9: {  	v25 =	vor.u32 v8, v22  }
0x1da: {  	v26 =	vor.u32 v24, v18;
	_ =	sdelay $0x3  }
0x1db: {  	[tilespmem:v25+s2+$0x0] =	vst.idx.msk $0xffff, v23  }
0x1dc: {  	v23 =	vld.idx.msk [tilespmem:v26+s20+$0x0], $0xffff  }
0x1dd: {  	v25 =	vor.u32 v9, v21  }
0x1de: {  	v26 =	vor.u32 v24, v19;
	_ =	sdelay $0x3  }
0x1df: {  	[tilespmem:v25+s2+$0x0] =	vst.idx.msk $0xffff, v23  }
0x1e0: {  	v23 =	vld.idx.msk [tilespmem:v26+s21+$0x0], $0xffff  }
0x1e1: {  	v22 =	vor.u32 v10, v22  }
0x1e2: {  	v24 =	vor.u32 v24, v20  }
.Ltmp7:
0x1e3: {  	(pc) =	sbr.rel @p1 .LBB2_13-.Ltmp7, $3  }
0x1e4: {  	_ =	sdelay $0x1  }
0x1e5: {  	[tilespmem:v22+s2+$0x0] =	vst.idx.msk $0xffff, v23  }
0x1e6: {  	v22 =	vadd.s32 s23, v0;
	s23 =	sadd.s32 $0x1, s23;
	v23 =	vld.idx.msk [tilespmem:v24+s21+$0x0], $0xffff  }
0x1e7: {  	v24 =	vand.u32 $0xF, v22;
	v21 =	vor.u32 v11, v21  }
0x1e8: {  	v13 =	vor.u32 v13, v24;
	_ =	sdelay $0x3  }
0x1e9: {  	[tilespmem:v21+s2+$0x0] =	vst.idx.msk $0xffff, v23  }
0x1ea: {  	v15 =	vor.u32 v15, v24;
	v13 =	vld.idx.msk [tilespmem:v13+s17+$0x0], $0xffff  }
0x1eb: {  	v14 =	vor.u32 v24, v14;
	_ =	sdelay $0x3  }
0x1ec: {  	v54 =	vor.u32 v12, v22;
	[tilespmem:v15+s2+$0x0] =	vst.idx.msk $0xffff, v13  }
0x1ed: {  	v55 =	vor.u32 v6, v54;
	v14 =	vld.idx.msk [tilespmem:v14+s19+$0x0], $0xffff  }
0x1ee: {  	v16 =	vor.u32 v24, v16;
	_ =	sdelay $0x3  }
0x1ef: {  	v56 =	vor.u32 v12, v24;
	[tilespmem:v55+s2+$0x0] =	vst.idx.msk $0xffff, v14  }
0x1f0: {  	v57 =	vor.u32 v7, v56;
	v14 =	vld.idx.msk [tilespmem:v16+s19+$0x0], $0xffff  }
0x1f1: {  	v58 =	vor.u32 v24, v17;
	_ =	sdelay $0x3  }
0x1f2: {  	[tilespmem:v57+s2+$0x0] =	vst.idx.msk $0xffff, v14  }
0x1f3: {  	v59 =	vor.u32 v8, v54;
	v14 =	vld.idx.msk [tilespmem:v58+s20+$0x0], $0xffff  }
0x1f4: {  	v60 =	vor.u32 v24, v18;
	_ =	sdelay $0x3  }
0x1f5: {  	[tilespmem:v59+s2+$0x0] =	vst.idx.msk $0xffff, v14  }
0x1f6: {  	v61 =	vor.u32 v9, v56;
	v14 =	vld.idx.msk [tilespmem:v60+s20+$0x0], $0xffff  }
0x1f7: {  	v62 =	vor.u32 v24, v19;
	_ =	sdelay $0x3  }
0x1f8: {  	[tilespmem:v61+s2+$0x0] =	vst.idx.msk $0xffff, v14  }
0x1f9: {  	v13 =	vor.u32 v10, v54;
	v14 =	vld.idx.msk [tilespmem:v62+s21+$0x0], $0xffff  }
0x1fa: {  	v63 =	vor.u32 v24, v20;
	_ =	sdelay $0x3  }
0x1fb: {  	s14 =	sadd.s32 $0x1, s14;
	[tilespmem:v13+s2+$0x0] =	vst.idx.msk $0xffff, v14  }
0x1fc: {  	p1 =	sne.s32 s14, $0x4;
	v12 =	vor.u32 v11, v56;
	v13 =	vld.idx.msk [tilespmem:v63+s21+$0x0], $0xffff  }
.Ltmp8:
0x1fd: {  	_ = 	snop;
	(pc) =	sbr.rel @p1 .LBB2_12-.Ltmp8, $2  }
0x1fe: {  	_ =	sdelay $0x2  }
0x1ff: {  	[tilespmem:v12+s2+$0x0] =	vst.idx.msk $0xffff, v13  }
0x200: {  	s5 =	sadd.s32 s16, s5  }
0x201: {  	s6 =	sshll.u32 s5, $0xB  }
0x202: {  	s6 =	sand.u32 $0x1FFFF800, s6  }
0x203: {  	s5 =	sshll.u32 @!p0 s5, $0x7;
	s6 =	sadd.s32 s8, s6  }
0x204: {  	[hbm4b:s6+s3] =	stream.linear.scatter [tilespmem:s2], [sflag:$0x9], $0x4000, $0x38;
	[tilespmem:$0x1D480] =	vst v63  }
0x205: {  	s14 =	simm.s32 @!p0 $0x800;
	s5 =	sadd.s32 @!p0 s5, s13;
	s6 =	simm.s32 @!p0 $0x0  }
0x206: {  	[tilespmem:s14], [sflag:$0x3] =	stream.linear.gather @!p0 [hbm4b:s5+s6], $0x280, $0x38;
	[tilespmem:$0x1D480] =	vst v63  }
0x207: {  	s5 =	simm.s32 @!p0 $0x2  }
0x208: {  	_ =	swait.ge @!p0 [sflag:s5], $0x280  }
0x209: {  	[sflag:s5] =	ssyncset.done @!p0 $0x0  }
0x20a: {  	[sflag:s5] =	ssyncadd.s32 @!p0 $0xFFFFFD80;
	s5 =	simm.s32 @!p0 $0x8  }
0x20b: {  	_ =	swait.ge @!p0 [sflag:s5], $0x4000  }
0x20c: {  	[sflag:s5] =	ssyncset.done @!p0 $0x0  }
0x20d: {  	[sflag:s5] =	ssyncadd.s32 @!p0 $0xFFFFC000  }
0x20e: {  	v12 =	vld @!p0 [tilespmem:$0x400];
	_ =	sdelay $0x2  }
0x20f: {  	v13 =	vlaneseq.u32 @!p0  }
0x210: {  	v14 =	vand.u32 @!p0 $0x7, v13;
	v15 =	vshrl.u32 @!p0 v13, $0x3  }
0x211: {  	v15 =	vmul.u32 @!p0 $0x8, v15;
	v16 =	vperm.xlane @!p0 v12, v14  }
0x212: {  	v13 =	vor.u32 @!p0 $0x8, v13  }
0x213: {  	v12 =	vperm.xlane @!p0 v12, v13;
	v16 =	vadd.s32 @!p0 v15, v16;
	_ =	sdelay $0x1  }
0x214: {  	v12 =	vadd.s32 @!p0 v15, v12;
	_ =	sdelay $0x1  }
0x215: {  	vm1 =	vmmov @!p0 $0xff;
	s5 =	simm.s32 @!p0 $0x4C00  }
0x216: {  	[tilespmem:s5], [sflag:$0x5] =	stream.indirect_vreg.gather @!p0 [hbm4b:s1+s6], $0x80, v16, vm1, $0xb8;
	[tilespmem:$0x1D480] =	vst v63  }
0x217: {  	s5 =	simm.s32 @!p0 $0x5400  }
0x218: {  	[tilespmem:s5], [sflag:$0x5] =	stream.indirect_vreg.gather @!p0 [hbm4b:s1+s6], $0x80, v12, vm1, $0xb8;
	[tilespmem:$0x1D480] =	vst v63  }
0x219: {  	v12 =	vld @!p0 [tilespmem:$0x410];
	_ =	sdelay $0x4  }
0x21a: {  	v16 =	vperm.xlane @!p0 v12, v14;
	_ =	sdelay $0x1  }
0x21b: {  	v12 =	vperm.xlane @!p0 v12, v13;
	v16 =	vadd.s32 @!p0 v15, v16;
	_ =	sdelay $0x1  }
0x21c: {  	v12 =	vadd.s32 @!p0 v15, v12;
	_ =	sdelay $0x1  }
0x21d: {  	s5 =	simm.s32 @!p0 $0x5C00  }
0x21e: {  	[tilespmem:s5], [sflag:$0x5] =	stream.indirect_vreg.gather @!p0 [hbm4b:s1+s6], $0x80, v16, vm1, $0xb8;
	[tilespmem:$0x1D480] =	vst v63  }
0x21f: {  	s5 =	simm.s32 @!p0 $0x6400  }
0x220: {  	[tilespmem:s5], [sflag:$0x5] =	stream.indirect_vreg.gather @!p0 [hbm4b:s1+s6], $0x80, v12, vm1, $0xb8;
	[tilespmem:$0x1D480] =	vst v63  }
0x221: {  	v12 =	vld @!p0 [tilespmem:$0x420];
	_ =	sdelay $0x4  }
0x222: {  	v16 =	vperm.xlane @!p0 v12, v14;
	_ =	sdelay $0x1  }
0x223: {  	v12 =	vperm.xlane @!p0 v12, v13;
	v16 =	vadd.s32 @!p0 v15, v16;
	_ =	sdelay $0x1  }
0x224: {  	v12 =	vadd.s32 @!p0 v15, v12;
	_ =	sdelay $0x1  }
0x225: {  	s5 =	simm.s32 @!p0 $0x6C00  }
0x226: {  	[tilespmem:s5], [sflag:$0x5] =	stream.indirect_vreg.gather @!p0 [hbm4b:s1+s6], $0x80, v16, vm1, $0xb8;
	[tilespmem:$0x1D480] =	vst v63  }
0x227: {  	s5 =	simm.s32 @!p0 $0x7400  }
0x228: {  	[tilespmem:s5], [sflag:$0x5] =	stream.indirect_vreg.gather @!p0 [hbm4b:s1+s6], $0x80, v12, vm1, $0xb8;
	[tilespmem:$0x1D480] =	vst v63  }
0x229: {  	v12 =	vld @!p0 [tilespmem:$0x430];
	_ =	sdelay $0x4  }
0x22a: {  	v14 =	vperm.xlane @!p0 v12, v14;
	_ =	sdelay $0x1  }
0x22b: {  	v12 =	vperm.xlane @!p0 v12, v13;
	v14 =	vadd.s32 @!p0 v15, v14;
	_ =	sdelay $0x1  }
0x22c: {  	v12 =	vadd.s32 @!p0 v15, v12;
	_ =	sdelay $0x1  }
0x22d: {  	s5 =	simm.s32 @!p0 $0x7C00  }
0x22e: {  	[tilespmem:s5], [sflag:$0x5] =	stream.indirect_vreg.gather @!p0 [hbm4b:s1+s6], $0x80, v14, vm1, $0xb8;
	[tilespmem:$0x1D480] =	vst v63  }
0x22f: {  	s10 =	sadd.s32 $0x1, s10;
	s5 =	simm.s32 @!p0 $0x8400  }
0x230: {  	[tilespmem:s5], [sflag:$0x5] =	stream.indirect_vreg.gather @!p0 [hbm4b:s1+s6], $0x80, v12, vm1, $0xb8;
	[tilespmem:$0x1D480] =	vst v63  }
0x231: {  	p0 =	sne.s32 s10, $0x22  }
.Ltmp9:
0x232: {  	_ = 	snop;
	(pc) =	sbr.rel @p0 .LBB2_2-.Ltmp9, $4  }
.Ltmp10:
0x233: {  	_ = 	snop;
	(pc) =	sbr.rel @!p0 .LBB2_16-.Ltmp10, $4  }
0x234: {  	_ = 	snop  }
0x235: {  	_ = 	snop  }
0x236: {  	_ = 	snop  }
0x237: {  	_ = 	snop  }
.LBB2_17:
0x238: {  	_ =	sfence.sel $0x180000  }
0x239: {  	[bflag:$0x0] =	sbarrier.arrive $0xFFFF  }
0x23a: {  	_ =	strace $0x90000047  }
0x23b: {  	s0 =	stileid.u32;
	[bflag:$0x2] =	sbarrier.arrive $0xFFFF  }
0x23c: {  	p0 =	sne.s32 s0, $0x0;
	s0 =	rddreg [dreg:$0x3]  }
0x23d: {  	s0 =	sadd.s32 @!p0 $0x100000, s0  }
0x23e: {  	[sflag:s0] =	ssyncadd.tile.s32 @!p0 $0x1;
	_ =	shalt  }
.Lfunc_end2:
_tile_overlayer_lowered:
.L_overlay_start_2:
0x23f: {  	(tag) =	ssettag $0x2  }
0x240: {  	s0 =	rddreg [dreg:$0x0];
	s2 =	stileid.u32  }
0x241: {  	s1 =	rddreg [dreg:$0x1];
	p0 =	sne.s32 s2, $0x0  }
0x242: {  	s3 =	rddreg [dreg:$0x2];
	[bflag:$0x3] =	sbarrier.arrive $0xFFFF;
	s2 =	simm.s32 @!p0 $0x1C0A  }
0x243: {  	[timem:s3], [sflag:s2] =	dma.local @!p0 [hbm:s0], s1  }
0x244: {  	s0 =	simm.s32 @!p0 $0xA  }
0x245: {  	_ =	swait.ge @!p0 [sflag:s0], s1  }
0x246: {  	s1 =	ssub.s32 @!p0 $0x0, s1;
	[sflag:s0] =	ssyncset.done @!p0 $0x0  }
0x247: {  	[sflag:s0] =	ssyncadd.s32 @!p0 s1  }
0x248: {  	[bflag:$0x3] =	sbarrier.arrive $0xFFFF  }
0x249: {  	_ =	shalt  }

// kernel: sparse-core-data-format-call.cloned.1.call-start
scs
called_computation_lowered:
.L_overlay_start_0:
0x0: {  	s2 =	sld [smem:$0x3FD9]  }
0x1: {  	s3 =	sld [smem:$0x3FFE];
	_ =	sdelay $0x1  }
0x2: {  	s1 =	srdreg.scid  }
0x3: {  	s0 =	sand.u32 $0x1, s1  }
0x4: {  	s18 =	sshll.u32 s0, $0xA;
	s2 =	sadd.s32 s3, s2  }
0x5: {  	s2 =	sadd.s32 s2, s18  }
0x6: {  	[smem:$0x3FBE] =	sst s2  }
0x7: {  	_ = 	snop  }
0x8: {  	s2 =	sld [smem:$0x3FD0];
	(tm) =	ssettm $0x1  }
0x9: {  	s19 =	sld [smem:$0x3FFB];
	_ =	sdelay $0x3  }
0xa: {  	_ =	strace s19  }
0xb: {  	s3 =	sld [smem:$0x3FFC];
	_ =	sdelay $0x3  }
0xc: {  	_ =	strace s3  }
0xd: {  	s3 =	sld [smem:$0x3FFD];
	_ =	sdelay $0x3  }
0xe: {  	_ =	strace s3  }
0xf: {  	_ =	strace $0x8FFFFFFF  }
0x10: {  	s20 =	sld [smem:$0x3FDB];
	_ =	sdelay $0x1  }
0x11: {  	s4 =	simm.s32 $_scs_section_size  }
0x12: {  	s5 =	simm.s32 $_size__tile_overlayer_lowered;
	s6 =	simm.s32 $_tile_overlayer_lowered  }
0x13: {  	s23 =	simm.s32 $0x1BFF;
	s22 =	sshll.u32 s6, $0x1;
	s3 =	sadd.s32 s4, s20  }
0x14: {  	s7 =	simm.s32 $0x0;
	s21 =	sshll.u32 s5, $0x1;
	s5 =	sadd.s32 s22, s3  }
0x15: {  	[timem:s7], [sflag:s23] =	dma.local [hbm:s5], s21  }
0x16: {  	_ =	swait.ge [sflag:s23], s21  }
0x17: {  	s4 =	ssub.s32 $0x0, s21;
	[sflag:s23] =	ssyncset.done $0x0  }
0x18: {  	[sflag:s23] =	ssyncadd.s32 s4;
	_ =	sdelay $0x1  }
0x19: {  	s24 =	simm.s32 $0x1B8B  }
0x1a: {  	_ =	swait.ge [sflag:s24], $0x1  }
0x1b: {  	[sflag:s24] =	ssyncset.done $0x0  }
0x1c: {  	s26 =	simm.s32 $0x1B8E;
	s25 =	sld [smem:$0x3FFE];
	[sflag:s24] =	ssyncadd.s32 $0xFFFFFFFF  }
0x1d: {  	s27 =	simm.s32 $execute0_lowered;
	[smem:$0x3FD2] =	sst s26  }
0x1e: {  	s5 =	sshll.u32 s27, $0x1;
	_ =	strace $0x80000049;
	[dreg:$0x1] =	wrdreg $0xFFFFFFFF  }
0x1f: {  	s28 =	simm.s32 $_size_execute0_lowered;
	s3 =	sadd.s32 s3, s5;
	[dreg:$0x0] =	wrdreg $0x0  }
0x20: {  	s5 =	sshll.u32 s28, $0x1;
	[dreg:$0x2] =	wrdreg s3  }
0x21: {  	[dreg:$0x3] =	wrdreg s5  }
0x22: {  	[dreg:$0x4] =	wrdreg $0xC0  }
0x23: {  	_ =	task [dreg:s7], $0x5FFFF  }
0x24: {  	[dreg:$0x1] =	wrdreg $0xFFFFFFFF  }
0x25: {  	[dreg:$0x0] =	wrdreg $0x60  }
0x26: {  	[dreg:$0x2] =	wrdreg s25  }
0x27: {  	[dreg:$0x3] =	wrdreg s2  }
0x28: {  	[dreg:$0x4] =	wrdreg $0x9  }
0x29: {  	_ =	task.clear_ibuf [dreg:s7], $0x5FFFF;
	_ =	strace $0x90000049  }
0x2a: {  	s29 =	simm.s32 $0x9;
	_ =	strace $0x8000004B  }
0x2b: {  	_ =	swait.ge [sflag:s29], $0x1  }
0x2c: {  	[sflag:s29] =	ssyncadd.s32 $0xFFFFFFFF  }
0x2d: {  	_ =	strace $0x9000004B  }
0x2e: {  	_ =	sfence  }
0x2f: {  	s30 =	sld [smem:$0x0];
	_ =	sdelay $0x2  }
0x30: {  	s31 =	sshll.u32 s1, $0xD;
	s1 =	sshrl.u32 s1, $0x2  }
0x31: {  	s3 =	sand.u32 $0x4000, s31;
	s1 =	sadd.s32 s1, s30  }
0x32: {  	s0 =	sor.u32 s3, s0;
	s1 =	sshll.u32 s1, $0x11  }
0x33: {  	s0 =	sor.u32 s1, s0  }
0x34: {  	s0 =	sadd.s32 $0x8F2B, s0  }
0x35: {  	[sflag:s0] =	ssyncadd.remote.s32 $0x1  }
0x36: {  	_ =	sfence.sel $0xFFFF  }
0x37: {  	[dreg:$0x0] =	wrdreg $0xFFFFFFFF;
	(pc) =	sbr.abs _section_cstart, $3  }
0x38: {  	[dreg:$0x1] =	wrdreg $0xFFFFFFFF  }
0x39: {  	_ =	task.clear_ibuf [dreg:s7], $0x2FFFF;
	_ =	strace $0x9FFFFFFF  }
0x3a: {  	(tm) =	ssettm $0x7FFFFFFF  }
0x3b: {  	_ =	shalt  }
tec
execute0_lowered:
.L_overlay_start_1:
0x0: {  	(tag) =	ssettag $0x1  }
0x1: {  	s4 =	rddreg [dreg:$0x0]  }
0x2: {  	s0 =	stileid.u32;
	s2 =	rddreg [dreg:$0x1]  }
0x3: {  	s1 =	rddreg [dreg:$0x2];
	_ =	strace $0x8000004A;
	s10 =	srdreg.scid  }
0x4: {  	s31 =	simm.s32 $0x2;
	s18 =	simm.s32 $0x0;
	s11 =	simm.s32 $0x2000  }
0x5: {  	s19 =	simm.s32 $0x0;
	s20 =	simm.s32 $0x0;
	s12 =	simm.s32 $0x0  }
0x6: {  	s13 =	simm.s32 $0x0;
	s14 =	simm.s32 $0x0;
	s3 =	sshll.u32 s0, $0x7  }
0x7: {  	s17 =	simm.s32 $0x0;
	s4 =	sadd.s32 $0x3600, s4;
	s3 =	sand.u32 $0x380, s3  }
0x8: {  	s5 =	sshrl.u32 s0, $0x3;
	s30 =	sshll.u32 s10, $0x7;
	s6 =	ssub.s32 $0x400, s3  }
0x9: {  	s8 =	ssub.s32 $0xC8, s5;
	s7 =	sshrl.u32 s6, $0xA;
	s6 =	sand.u32 $0x380, s6  }
0xa: {  	s9 =	sshrl.u32 s8, $0x1;
	p0 =	sne.s32 s6, $0x0;
	s6 =	simm.s32 $0x1  }
.Ltmp0:
0xb: {  	s8 =	sand.u32 $0x1, s8;
	s6 =	simm.s32 @!p0 $0x0;
	(pc) =	sbr.rel .LBB1_1-.Ltmp0, $4  }
0xc: {  	s15 =	smov.u32 s5;
	s8 =	sadd.s32 s8, s9;
	s7 =	sadd.s32 s6, s7  }
0xd: {  	s16 =	smov.u32 s3;
	s6 =	simm.s32 $0x1;
	s7 =	smul.u32 s8, s7  }
0xe: {  	p0 =	por $0x0, $0x0;
	s8 =	sand.u32 $0x80, s30;
	[sflag:s6] =	ssyncpa.u1 $0x0  }
0xf: {  	[sflag:s31] =	ssyncpa.u1 $0x0;
	s9 =	sshll.u32 s8, $0x3;
	s10 =	sadd.s32 $0x1, s7  }
.LBB1_4:
0x10: {  	s25 =	sshra.s32 s25, $0x2;
	s26 =	sshrl.u32 s14, $0x7;
	p1 =	sgt.s32 s14, $0x380  }
0x11: {  	s27 =	sshra.s32 s14, $0x1F;
	s29 =	smov.u32 s13;
	s31 =	sshra.s32 s13, $0x1F  }
0x12: {  	s24 =	sadd.s32 s25, s24;
	s30 =	sadd.s32 s26, s12;
	s26 =	smov.u32 s14  }
0x13: {  	v5 =	vld [tilespmem:s22+$0xFFFFFFD0];
	[tilespmem:s23+$0x2040 ss:$0x81] =	vst.msk $0xffff, v4;
	s27 =	sand.u32 s27, s14;
	s25 =	sand.u32 $0x3FFFFF, s30;
	s26 =	simm.s32 @!p1 $0x380  }
0x14: {  	v58 =	vld [tilespmem:s22+$0xFFFFFFE0];
	[tilespmem:s23+$0x2850 ss:$0x81] =	vst.msk $0xffff, v3;
	p1 =	sgt.s32 s13, $0xC7;
	s28 =	smulhi.u32 $0x1111112, s25;
	s26 =	ssub.s32 s26, s27  }
0x15: {  	v59 =	vld [tilespmem:s22+$0xFFFFFFF0];
	[tilespmem:s23+$0x3060 ss:$0x81] =	vst.msk $0xffff, v2;
	s29 =	simm.s32 @!p1 $0xC7;
	s27 =	sand.u32 s31, s13;
	p1 =	sgt.s32 s12, $0x70  }
0x16: {  	v60 =	vld [tilespmem:s22+$0x0];
	[tilespmem:s23+$0x0 ss:$0x81] =	vst.msk $0xffff, v1;
	s23 =	ssub.s32 s29, s27;
	s27 =	smov.u32 s12;
	s30 =	sadd.s32 $0xFFFFFC80, s26  }
0x17: {  	v61 =	vld [tilespmem:s22+$0x10];
	[tilespmem:s24+$0x3870 ss:$0x81] =	vst.msk $0xffff, v0;
	s26 =	ssub.s32 $0x400, s26;
	s27 =	simm.s32 @!p1 $0x70;
	p1 =	sgt.s32 s30, $0x7F  }
0x18: {  	v62 =	vld [tilespmem:s22+$0x20];
	s28 =	smul.u32 $0xF0, s28;
	[tilespmem:s24+$0x810 ss:$0x81] =	vst.msk $0xffff, v5;
	s27 =	ssub.s32 $0xF0, s27;
	s26 =	simm.s32 @p1 $0x0  }
0x19: {  	v63 =	vld [tilespmem:s22+$0xFFFFFFC0];
	s29 =	sand.u32 $0x7, s14;
	s31 =	sadd.s32 $0xFFFFFF39, s23;
	[tilespmem:s24+$0x1020 ss:$0x81] =	vst.msk $0xffff, v58;
	s26 =	smul.u32 s27, s26  }
0x1a: {  	s22 =	ssub.s32 $0xC8, s23;
	[tilespmem:s24+$0x1830 ss:$0x81] =	vst.msk $0xffff, v59;
	p1 =	sgt.s32 s31, $0x0;
	s27 =	smul.u32 $0x7800, s13  }
0x1b: {  	[tilespmem:s24+$0x2040 ss:$0x81] =	vst.msk $0xffff, v60;
	s22 =	simm.s32 @p1 $0x0;
	s25 =	ssub.s32 s25, s28;
	s28 =	sshrl.u32 s14, $0x3  }
0x1c: {  	[tilespmem:s24+$0x2850 ss:$0x81] =	vst.msk $0xffff, v61;
	s23 =	sand.u32 $0xF, s28;
	s22 =	smul.u32 s22, s26;
	s26 =	sadd.s32 s2, s27  }
0x1d: {  	[tilespmem:s24+$0x3060 ss:$0x81] =	vst.msk $0xffff, v62;
	s30 =	sshll.u32 s29, $0x12;
	s25 =	sshll.u32 s25, $0x7;
	s23 =	sadd.s32 s23, s26  }
0x1e: {  	[tilespmem:s24+$0x0 ss:$0x81] =	vst.msk $0xffff, v63;
	s31 =	sor.u32 $0x400, s30;
	s22 =	sand.u32 $0x3FFFFFFF, s22;
	s23 =	sadd.s32 s25, s23  }
0x1f: {  	[hbm4b:s23+s31] =	stream.strided.scatter [tilespmem:s21], [sflag:$0x2], s22, s11, s31, $0x20;
	[tilespmem:$0x10100] =	vst v63  }
.LBB1_5:
0x20: {  	p1 =	slt.u32 s17, $0x2;
	s21 =	smov.u32 s19  }
0x21: {  	s22 =	smov.u32 s20;
	p2 =	sgt.s32 @!p1 s19, $0xC7;
	p3 =	sgt.s32 @!p1 s20, $0x380  }
0x22: {  	s23 =	sshra.s32 @!p1 s20, $0x1F;
	p2 =	por !p2, p1;
	p3 =	por !p3, p1  }
0x23: {  	s20 =	sand.u32 @!p1 s23, s20;
	s21 =	simm.s32 @p2 $0xC7;
	s22 =	simm.s32 @p3 $0x380  }
0x24: {  	p2 =	sgt.s32 @!p1 s18, $0x70;
	s20 =	ssub.s32 @!p1 s22, s20;
	s22 =	sshra.s32 @!p1 s19, $0x1F  }
0x25: {  	p2 =	por !p2, p1;
	s19 =	sand.u32 @!p1 s22, s19;
	s22 =	sadd.s32 @!p1 $0xFFFFFC80, s20  }
0x26: {  	s18 =	simm.s32 @p2 $0x70;
	s19 =	ssub.s32 @!p1 s21, s19;
	p2 =	sgt.s32 @!p1 s22, $0x7F  }
0x27: {  	s20 =	ssub.s32 @!p1 $0x400, s20;
	s21 =	sadd.s32 @!p1 $0xFFFFFF39, s19;
	p2 =	por !p2, p1  }
0x28: {  	s18 =	ssub.s32 @!p1 $0xF0, s18;
	s20 =	simm.s32 @!p2 $0x0;
	p2 =	sgt.s32 @!p1 s21, $0x0  }
0x29: {  	s19 =	ssub.s32 @!p1 $0xC8, s19;
	p2 =	por !p2, p1;
	s18 =	smul.u32 @!p1 s18, s20  }
0x2a: {  	s23 =	smov.u32 s16;
	s21 =	sadd.s32 $0x2, s15;
	s19 =	simm.s32 @!p2 $0x0  }
0x2b: {  	p2 =	sgt.s32 s21, $0xC7;
	s18 =	smul.u32 @!p1 s19, s18;
	s19 =	sadd.s32 $0x400, s16  }
0x2c: {  	s25 =	sadd.s32 $0x1, s17;
	s23 =	smov.u32 @p2 s19  }
0x2d: {  	p0 =	por !p0, !p0;
	s21 =	smov.u32 @p2 s5;
	p2 =	sgt.s32 s23, $0x3FF  }
0x2e: {  	s22 =	simm.s32 @!p1 $0x2;
	s23 =	smov.u32 @p2 s3;
	p2 =	sne.s32 s17, s10  }
.Ltmp1:
0x2f: {  	s20 =	smov.u32 s14;
	s14 =	smov.u32 s16;
	(pc) =	sbr.rel @!p2 .LBB1_6-.Ltmp1, $4  }
0x30: {  	s19 =	smov.u32 s13;
	s13 =	smov.u32 s15;
	s18 =	sand.u32 @!p1 $0x3FFFFFFF, s18  }
0x31: {  	s15 =	smov.u32 s21;
	_ =	swait.ge @!p1 [sflag:s22], s18;
	s24 =	ssub.s32 @!p1 $0x0, s18  }
0x32: {  	s18 =	smov.u32 s12;
	s12 =	smov.u32 s8;
	[sflag:s22] =	ssyncset.done @!p1 $0x0  }
0x33: {  	s17 =	smov.u32 s25;
	s16 =	smov.u32 s23;
	[sflag:s22] =	ssyncadd.s32 @!p1 s24  }
.LBB1_1:
0x34: {  	p1 =	sge.u32 s17, s7  }
0x35: {  	s21 =	sshll.u32 @!p1 s15, $0x8  }
0x36: {  	s22 =	sshll.u32 @!p1 s15, $0x7;
	s21 =	sand.u32 @!p1 $0xFFFFF800, s21  }
0x37: {  	s22 =	sand.u32 @!p1 $0x300, s22;
	s21 =	sor.u32 @!p1 s9, s21  }
0x38: {  	s21 =	sor.u32 @!p1 s22, s21  }
0x39: {  	s21 =	sshrl.u32 @!p1 s21, $0x8  }
0x3a: {  	s22 =	smulhi.u32 @!p1 $0x147AE15, s21;
	_ =	sdelay $0x1  }
0x3b: {  	s22 =	smul.u32 @!p1 $0xC8, s22  }
0x3c: {  	s31 =	sadd.s32 $0xFFFFFFFF, s17;
	s23 =	smul.u32 @!p1 $0x1900, s16  }
0x3d: {  	s24 =	sxor.u32 @!p1 $0xFFFFFFFF, s17;
	s21 =	ssub.s32 @!p1 s21, s22;
	s22 =	sshll.u32 @!p1 s15, $0x4  }
0x3e: {  	s24 =	sshll.u32 @!p1 s24, $0xE;
	s23 =	sadd.s32 @!p1 s4, s23;
	s22 =	sand.u32 @!p1 $0x10, s22  }
0x3f: {  	s24 =	sand.u32 @!p1 $0x4000, s24;
	s21 =	sshll.u32 @!p1 s21, $0x5;
	s22 =	sadd.s32 @!p1 s22, s23  }
0x40: {  	s23 =	simm.s32 @!p1 $0xC800;
	s21 =	sadd.s32 @!p1 s21, s22;
	s22 =	simm.s32 @!p1 $0x80  }
0x41: {  	[tilespmem:s24], [sflag:$0x1] =	stream.strided.gather @!p1 [hbm4b:s21+s22], $0x4000, s23, s22, $0x38;
	[tilespmem:$0x10100] =	vst v63  }
0x42: {  	p1 =	sge.u32 s31, s7  }
.Ltmp2:
0x43: {  	_ = 	snop;
	(pc) =	sbr.rel @p1 .LBB1_5-.Ltmp2, $1  }
0x44: {  	_ =	sdelay $0x3  }
0x45: {  	s21 =	simm.s32 $0x1  }
0x46: {  	_ =	swait.ge [sflag:s6], $0x4000;
	s21 =	simm.s32 @!p0 $0x0  }
0x47: {  	[sflag:s6] =	ssyncset.done $0x0;
	s22 =	sshll.u32 s21, $0xE  }
0x48: {  	[sflag:s6] =	ssyncadd.s32 $0xFFFFC000;
	s22 =	sor.u32 $0x40, s22  }
0x49: {  	s21 =	smul.u32 $0x10200, s21;
	v0 =	vld [tilespmem:s22+$0x30]  }
0x4a: {  	v1 =	vld [tilespmem:s22+$0xFFFFFFD0]  }
0x4b: {  	s21 =	sshrl.u32 s21, $0x2;
	v5 =	vld [tilespmem:s22+$0xFFFFFFE0]  }
0x4c: {  	v6 =	vld [tilespmem:s22+$0xFFFFFFF0];
	s24 =	sor.u32 $0x8000, s21  }
0x4d: {  	s31 =	sand.u32 $0x1, s17;
	v4 =	vld [tilespmem:s22+$0x0];
	s23 =	sadd.s32 $0x0, s24  }
0x4e: {  	v3 =	vld [tilespmem:s22+$0x10];
	s21 =	smul.u32 $0x10200, s31;
	[tilespmem:s23+$0x3870 ss:$0x81] =	vst.msk $0xffff, v0  }
0x4f: {  	v2 =	vld [tilespmem:s22+$0x20];
	[tilespmem:s23+$0x810 ss:$0x81] =	vst.msk $0xffff, v1  }
0x50: {  	s21 =	sshrl.u32 s21, $0x2;
	v1 =	vld [tilespmem:s22+$0xFFFFFFC0];
	[tilespmem:s23+$0x1020 ss:$0x81] =	vst.msk $0xffff, v5;
	s22 =	sadd.s32 $0x80, s22  }
0x51: {  	s25 =	simm.s32 $0x4;
	s26 =	simm.s32 $0x8;
	s21 =	sor.u32 $0x8000, s21;
	[tilespmem:s23+$0x1830 ss:$0x81] =	vst.msk $0xffff, v6;
	v0 =	vld [tilespmem:s22+$0x30]  }
.LBB1_3:
0x52: {  	p1 =	sne.s32 s26, $0x1FC;
	v5 =	vld [tilespmem:s22+$0xFFFFFFD0];
	[tilespmem:s23+$0x2040 ss:$0x81] =	vst.msk $0xffff, v4  }
0x53: {  	v6 =	vld [tilespmem:s22+$0xFFFFFFE0];
	[tilespmem:s23+$0x2850 ss:$0x81] =	vst.msk $0xffff, v3  }
0x54: {  	s27 =	sshra.s32 s25, $0x2;
	s25 =	smov.u32 s26;
	v7 =	vld [tilespmem:s22+$0xFFFFFFF0];
	[tilespmem:s23+$0x3060 ss:$0x81] =	vst.msk $0xffff, v2  }
.Ltmp3:
0x55: {  	v4 =	vld [tilespmem:s22+$0x0];
	[tilespmem:s23+$0x0 ss:$0x81] =	vst.msk $0xffff, v1;
	s23 =	sadd.s32 s27, s24;
	(pc) =	sbr.rel @p1 .LBB1_3-.Ltmp3, $4  }
0x56: {  	v3 =	vld [tilespmem:s22+$0x10];
	[tilespmem:s23+$0x3870 ss:$0x81] =	vst.msk $0xffff, v0  }
0x57: {  	[tilespmem:s23+$0x810 ss:$0x81] =	vst.msk $0xffff, v5;
	v2 =	vld [tilespmem:s22+$0x20]  }
0x58: {  	v1 =	vld [tilespmem:s22+$0xFFFFFFC0];
	[tilespmem:s23+$0x1020 ss:$0x81] =	vst.msk $0xffff, v6;
	s22 =	sadd.s32 $0x80, s22  }
0x59: {  	s26 =	sadd.s32 $0x4, s26;
	v0 =	vld [tilespmem:s22+$0x30];
	[tilespmem:s23+$0x1830 ss:$0x81] =	vst.msk $0xffff, v7  }
.Ltmp4:
0x5a: {  	_ = 	snop;
	(pc) =	sbr.rel .LBB1_4-.Ltmp4, $1  }
0x5b: {  	_ =	sdelay $0x3  }
.LBB1_6:
0x5c: {  	_ =	sfence.sel $0x180000  }
0x5d: {  	s2 =	simm.s32 $0x1;
	[bflag:$0x0] =	sbarrier.arrive $0xFFFF  }
0x5e: {  	s31 =	simm.s32 $0x2;
	[sflag:s2] =	ssyncpa.u1 $0x1  }
0x5f: {  	[sflag:s31] =	ssyncpa.u1 $0x1  }
0x60: {  	p0 =	sne.s32 s0, $0x0;
	_ =	strace $0x9000004A  }
0x61: {  	s0 =	sadd.s32 @!p0 $0x100000, s1;
	[bflag:$0x2] =	sbarrier.arrive $0xFFFF  }
0x62: {  	[sflag:s0] =	ssyncadd.tile.s32 @!p0 $0x1;
	_ =	shalt  }
.Lfunc_end1:
_tile_overlayer_lowered:
.L_overlay_start_2:
0x63: {  	(tag) =	ssettag $0x2  }
0x64: {  	s0 =	rddreg [dreg:$0x0];
	s2 =	stileid.u32  }
0x65: {  	s1 =	rddreg [dreg:$0x1];
	p0 =	sne.s32 s2, $0x0  }
0x66: {  	s3 =	rddreg [dreg:$0x2];
	[bflag:$0x3] =	sbarrier.arrive $0xFFFF;
	s2 =	simm.s32 @!p0 $0x1C01  }
0x67: {  	[timem:s3], [sflag:s2] =	dma.local @!p0 [hbm:s0], s1  }
0x68: {  	s0 =	simm.s32 @!p0 $0x1  }
0x69: {  	_ =	swait.ge @!p0 [sflag:s0], s1  }
0x6a: {  	s1 =	ssub.s32 @!p0 $0x0, s1;
	[sflag:s0] =	ssyncset.done @!p0 $0x0  }
0x6b: {  	[sflag:s0] =	ssyncadd.s32 @!p0 s1  }
0x6c: {  	[bflag:$0x3] =	sbarrier.arrive $0xFFFF  }
0x6d: {  	_ =	shalt  }

</sc_bundles>
